<compile_context>
chip_gen: v7x
topology: tpu7x:2x2x1
jax: 0.10.2.dev20260603
libtpu: 0.0.44.dev20260713+nightly
codegen_flags: <defaults>
</compile_context>

<pallas_src>
import functools

import jax
import jax.numpy as jnp
from jax import lax
from jax.experimental import pallas as pl
from jax.experimental.pallas import tpu as pltpu
from jax.experimental.pallas import tpu_sc as plsc
import numpy as np

N_NETS = 50000
N_PINS = 250000
NBX = 256
NBY = 256
BSX = 1.0 / NBX
BSY = 1.0 / NBY
UNIT_H_CAP = 30000.0
UNIT_V_CAP = 30000.0
MAX_RATE = 2.0
MIN_RATE = 1.0 / MAX_RATE
EPS = float(np.finfo(np.float32).eps)

NW = 32
NPW = 1568
NETS_PAD = NW * NPW
CHUNK = 8192
GROUPS = NPW // 16
GROUPS_PAD = 112
SV_LEN = GROUPS_PAD * 16 + 16
STARTS_LEN = NETS_PAD + SV_LEN - NPW

TN = 3584
NSTEPS = NETS_PAD // TN


def _sc_bbox_body(starts_hbm, fn_hbm, xyf_hbm, xy1_hbm,
                  xmin_hbm, xmax_hbm, ymin_hbm, ymax_hbm,
                  starts_v, cnts_v, mc_v,
                  fn_v0, px_v0, py_v0, fn_v1, px_v1, py_v1,
                  xmin_a, xmax_a, ymin_a, ymax_a,
                  semx0, semy0, semx1, semy1):
    c = lax.axis_index("c")
    s = lax.axis_index("s")
    wid = s * 2 + c
    n0 = wid * NPW

    pltpu.sync_copy(starts_hbm.at[pl.ds(n0, SV_LEN)], starts_v)

    inf16 = jnp.full((16,), jnp.inf, jnp.float32)
    ninf16 = jnp.full((16,), -jnp.inf, jnp.float32)
    iota16 = lax.iota(jnp.int32, 16)

    s0 = starts_v[pl.ds(0, 16)][0]
    s1 = starts_v[pl.ds(NPW, 16)][0]
    s0a = (s0 // 8) * 8
    nch = jnp.maximum((s1 - s0a + CHUNK - 1) // CHUNK, 1)

    def cnt_body(g, carry):
        base = g * 16
        st = plsc.load_gather(starts_v, [iota16 + base])
        en = plsc.load_gather(starts_v, [iota16 + base + 1])
        cnts_v[pl.ds(base, 16)] = en - st
        return carry

    lax.fori_loop(0, GROUPS_PAD, cnt_body, 0)

    def mc_body(t, carry):
        idx0 = t * 256 + iota16 * 16
        m = plsc.load_gather(cnts_v, [idx0])
        for j in range(1, 16):
            m = jnp.maximum(m, plsc.load_gather(cnts_v, [idx0 + j]))
        mc_v[pl.ds(t * 16, 16)] = m
        return carry

    lax.fori_loop(0, GROUPS_PAD // 16, mc_body, 0)

    def stage(cs, fn_v, px_v, py_v, semx, semy):
        pltpu.sync_copy(fn_hbm.at[pl.ds(cs, CHUNK)], fn_v)
        pltpu.async_copy(xyf_hbm.at[fn_v], px_v, semx)
        pltpu.async_copy(xy1_hbm.at[fn_v], py_v, semy)

    def wait_stage(fn_v, px_v, py_v, semx, semy):
        pltpu.make_async_copy(xyf_hbm.at[fn_v], px_v, semx).wait()
        pltpu.make_async_copy(xy1_hbm.at[fn_v], py_v, semy).wait()

    def process(cs, px_v, py_v, merge):
        def group_body(g, carry2):
            base = g * 16
            st = plsc.load_gather(starts_v, [iota16 + base])
            en = plsc.load_gather(starts_v, [iota16 + base + 1])
            d_st = st - cs
            d_en = en - cs
            lorel = jnp.maximum(d_st, 0)
            hic = jnp.minimum(d_en, CHUNK)
            him1 = jnp.maximum(hic - 1, 0)
            trip = plsc.load_gather(mc_v, [iota16 * 0 + g])[0]

            def k_body(j, acc):
                xmn, xmx, ymn, ymx = acc
                for i in range(4):
                    idx = jnp.minimum(lorel + (j * 4 + i), him1)
                    pxv = plsc.load_gather(px_v, [idx])
                    pyv = plsc.load_gather(py_v, [idx])
                    xmn = jnp.minimum(xmn, pxv)
                    xmx = jnp.maximum(xmx, pxv)
                    ymn = jnp.minimum(ymn, pyv)
                    ymx = jnp.maximum(ymx, pyv)
                return (xmn, xmx, ymn, ymx)

            xmn, xmx, ymn, ymx = lax.fori_loop(
                0, (trip + 3) // 4, k_body, (inf16, ninf16, inf16, ninf16))
            ok = hic > lorel
            xmn = jnp.where(ok, xmn, jnp.inf)
            xmx = jnp.where(ok, xmx, -jnp.inf)
            ymn = jnp.where(ok, ymn, jnp.inf)
            ymx = jnp.where(ok, ymx, -jnp.inf)
            o = pl.ds(base, 16)
            if merge:
                xmin_a[o] = jnp.minimum(xmin_a[o], xmn)
                xmax_a[o] = jnp.maximum(xmax_a[o], xmx)
                ymin_a[o] = jnp.minimum(ymin_a[o], ymn)
                ymax_a[o] = jnp.maximum(ymax_a[o], ymx)
            else:
                xmin_a[o] = xmn
                xmax_a[o] = xmx
                ymin_a[o] = ymn
                ymax_a[o] = ymx
            return carry2

        lax.fori_loop(0, GROUPS, group_body, 0)

    stage(s0a, fn_v0, px_v0, py_v0, semx0, semy0)

    @pl.when(nch >= 2)
    def _():
        stage(s0a + CHUNK, fn_v1, px_v1, py_v1, semx1, semy1)

    wait_stage(fn_v0, px_v0, py_v0, semx0, semy0)
    process(s0a, px_v0, py_v0, merge=False)

    @pl.when(nch >= 2)
    def _():
        wait_stage(fn_v1, px_v1, py_v1, semx1, semy1)
        process(s0a + CHUNK, px_v1, py_v1, merge=True)

    def tail_body(j, carry):
        cs = s0a + j * CHUNK
        stage(cs, fn_v0, px_v0, py_v0, semx0, semy0)
        wait_stage(fn_v0, px_v0, py_v0, semx0, semy0)
        process(cs, px_v0, py_v0, merge=True)
        return carry

    lax.fori_loop(2, nch, tail_body, 0)

    pltpu.sync_copy(xmin_a, xmin_hbm.at[pl.ds(n0, NPW)])
    pltpu.sync_copy(xmax_a, xmax_hbm.at[pl.ds(n0, NPW)])
    pltpu.sync_copy(ymin_a, ymin_hbm.at[pl.ds(n0, NPW)])
    pltpu.sync_copy(ymax_a, ymax_hbm.at[pl.ds(n0, NPW)])


@jax.jit
def _sc_bbox(starts_pad, fn_pad, xyf, xy1):
    mesh = plsc.VectorSubcoreMesh(core_axis_name="c", subcore_axis_name="s")
    f = pl.kernel(
        _sc_bbox_body,
        out_type=[jax.ShapeDtypeStruct((NETS_PAD,), jnp.float32)] * 4,
        mesh=mesh,
        scratch_types=[
            pltpu.VMEM((SV_LEN,), jnp.int32),
            pltpu.VMEM((GROUPS_PAD * 16,), jnp.int32),
            pltpu.VMEM((GROUPS_PAD,), jnp.int32),
            pltpu.VMEM((CHUNK,), jnp.int32),
            pltpu.VMEM((CHUNK,), jnp.float32),
            pltpu.VMEM((CHUNK,), jnp.float32),
            pltpu.VMEM((CHUNK,), jnp.int32),
            pltpu.VMEM((CHUNK,), jnp.float32),
            pltpu.VMEM((CHUNK,), jnp.float32),
            pltpu.VMEM((NPW,), jnp.float32),
            pltpu.VMEM((NPW,), jnp.float32),
            pltpu.VMEM((NPW,), jnp.float32),
            pltpu.VMEM((NPW,), jnp.float32),
            pltpu.SemaphoreType.DMA,
            pltpu.SemaphoreType.DMA,
            pltpu.SemaphoreType.DMA,
            pltpu.SemaphoreType.DMA,
        ],
        compiler_params=pltpu.CompilerParams(needs_layout_passes=False),
    )
    return f(starts_pad, fn_pad, xyf, xy1)


def _tc_maps_body(xmin_r, xmax_r, ymin_r, ymax_r, wt_r, out_r, hacc, vacc):
    step = pl.program_id(0)

    @pl.when(step == 0)
    def _():
        hacc[...] = jnp.zeros((NBX, NBY), jnp.float32)
        vacc[...] = jnp.zeros((NBX, NBY), jnp.float32)

    xmn = xmin_r[...]
    xmx = xmax_r[...]
    ymn = ymin_r[...]
    ymx = ymax_r[...]
    wt = wt_r[...]
    rwy = wt / (ymx - ymn + EPS)
    rwx = wt / (xmx - xmn + EPS)

    binl = lax.broadcasted_iota(
        jnp.int32, (NBX, 128), 0).astype(jnp.float32)[:, 0:1] * BSX
    binh = binl + BSX
    ovx = jnp.maximum(jnp.minimum(xmx, binh) - jnp.maximum(xmn, binl), 0.0)
    ovy = jnp.maximum(jnp.minimum(ymx, binh) - jnp.maximum(ymn, binl), 0.0)

    dn = (((1,), (1,)), ((), ()))
    hacc[...] += lax.dot_general(ovx, ovy * rwy, dn,
                                 preferred_element_type=jnp.float32)
    vacc[...] += lax.dot_general(ovx, ovy * rwx, dn,
                                 preferred_element_type=jnp.float32)

    @pl.when(step == NSTEPS - 1)
    def _():
        h = hacc[...] * (1.0 / (BSX * BSY * UNIT_H_CAP))
        v = vacc[...] * (1.0 / (BSX * BSY * UNIT_V_CAP))
        r = jnp.maximum(jnp.abs(h), jnp.abs(v))
        out_r[...] = jnp.clip(r, MIN_RATE, MAX_RATE)


def _tc_maps(xmin, xmax, ymin, ymax, wt, interpret=False):
    col = pl.BlockSpec((1, TN), lambda i: (0, i))
    return pl.pallas_call(
        _tc_maps_body,
        grid=(NSTEPS,),
        in_specs=[col, col, col, col, col],
        out_specs=pl.BlockSpec((NBX, NBY), lambda i: (0, 0)),
        out_shape=jax.ShapeDtypeStruct((NBX, NBY), jnp.float32),
        scratch_shapes=[
            pltpu.VMEM((NBX, NBY), jnp.float32),
            pltpu.VMEM((NBX, NBY), jnp.float32),
        ],
        interpret=interpret,
    )(xmin, xmax, ymin, ymax, wt)


def kernel(pin_pos, netpin_start, flat_netpin, net_weights):
    xyf = pin_pos.reshape(2, N_PINS).T.reshape(2 * N_PINS)
    xy1 = jnp.concatenate([xyf[1:], jnp.zeros((1,), jnp.float32)])
    nps = netpin_start.astype(jnp.int32)
    starts_pad = jnp.concatenate(
        [nps, jnp.full((STARTS_LEN + 1 - (N_NETS + 1),), N_PINS, jnp.int32)])
    fn_pad = jnp.concatenate(
        [flat_netpin * 2, jnp.zeros((CHUNK + 8,), jnp.int32)])

    xmin, xmax, ymin, ymax = _sc_bbox(starts_pad, fn_pad, xyf, xy1)

    pad = NETS_PAD - N_NETS
    counts = nps[1:] - nps[:-1]
    wt_eff = net_weights * (counts > 0).astype(jnp.float32)
    wt_pad = jnp.concatenate(
        [wt_eff, jnp.zeros((pad,), jnp.float32)]).reshape(1, NETS_PAD)

    return _tc_maps(xmin.reshape(1, NETS_PAD), xmax.reshape(1, NETS_PAD),
                    ymin.reshape(1, NETS_PAD), ymax.reshape(1, NETS_PAD),
                    wt_pad)

# --- scband reference (transcript-rebuilt; emitter-appended) ---
"""Pipeline reference for scband-rudy-73847667687437 (READ-ONLY COPY).

The authoritative reference and input builder live on the scoring server;
editing this copy changes nothing except your own understanding.
"""

import jax, jax.numpy as jnp
import numpy as np

NUM_NETS = 50000
NUM_PINS = 250000
NBX = 256
NBY = 256
XL, XH, YL, YH = 0.0, 1.0, 0.0, 1.0
BSX = (XH - XL) / NBX
BSY = (YH - YL) / NBY
UNIT_H_CAP = 30000.0
UNIT_V_CAP = 30000.0
MAX_RATE = 2.0
MIN_RATE = 1.0 / MAX_RATE


def setup_inputs(seed: int = 0) -> dict:
    key = jax.random.key(seed)
    k1, k2, k3, k4 = jax.random.split(key, 4)
    # pin positions: x coords in first half, y coords in second half (DREAMPlace layout)
    pin_pos = jax.random.uniform(k1, (2 * NUM_PINS,), dtype=jnp.float32, minval=0.0, maxval=1.0)
    # CSR-style net -> pin mapping
    inner = jnp.sort(jax.random.randint(k2, (NUM_NETS - 1,), 0, NUM_PINS, dtype=jnp.int32))
    netpin_start = jnp.concatenate([
        jnp.zeros((1,), jnp.int32), inner, jnp.full((1,), NUM_PINS, jnp.int32)
    ])
    flat_netpin = jax.random.permutation(k3, NUM_PINS).astype(jnp.int32)
    net_weights = jax.random.uniform(k4, (NUM_NETS,), dtype=jnp.float32, minval=0.5, maxval=1.5)
    return {
        "pin_pos": pin_pos,
        "netpin_start": netpin_start,
        "flat_netpin": flat_netpin,
        "net_weights": net_weights,
    }


def reference(pin_pos, netpin_start, flat_netpin, net_weights):
    eps = jnp.float32(np.finfo(np.float32).eps)
    x = pin_pos[:NUM_PINS]
    y = pin_pos[NUM_PINS:]

    # net id for each flat pin slot (segment ids from CSR offsets)
    seg = jnp.searchsorted(netpin_start, jnp.arange(NUM_PINS, dtype=netpin_start.dtype), side='right') - 1

    px = jnp.take(x, flat_netpin)
    py = jnp.take(y, flat_netpin)

    # per-net bounding boxes via segment reductions (scatter-min/max)
    x_min = jax.ops.segment_min(px, seg, num_segments=NUM_NETS)
    x_max = jax.ops.segment_max(px, seg, num_segments=NUM_NETS)
    y_min = jax.ops.segment_min(py, seg, num_segments=NUM_NETS)
    y_max = jax.ops.segment_max(py, seg, num_segments=NUM_NETS)

    counts = netpin_start[1:] - netpin_start[:-1]
    mask = (counts > 0)
    x_min = jnp.where(mask, x_min, 0.0)
    x_max = jnp.where(mask, x_max, 0.0)
    y_min = jnp.where(mask, y_min, 0.0)
    y_max = jnp.where(mask, y_max, 0.0)

    dx = x_max - x_min
    dy = y_max - y_min
    wt = net_weights * mask.astype(net_weights.dtype)

    # per-bin overlap is separable in x and y
    bin_xl = XL + jnp.arange(NBX, dtype=jnp.float32) * BSX
    bin_xh = bin_xl + BSX
    bin_yl = YL + jnp.arange(NBY, dtype=jnp.float32) * BSY
    bin_yh = bin_yl + BSY

    ov_x = jnp.clip(jnp.minimum(x_max[:, None], bin_xh[None, :]) - jnp.maximum(x_min[:, None], bin_xl[None, :]), 0.0, None)
    ov_y = jnp.clip(jnp.minimum(y_max[:, None], bin_yh[None, :]) - jnp.maximum(y_min[:, None], bin_yl[None, :]), 0.0, None)

    # horizontal_map[bx,by] += wt * overlap / (dy + eps); vertical analogously
    A = wt[:, None] * ov_x                      # [N, NBX]
    B = ov_y / (dy[:, None] + eps)              # [N, NBY]
    H = A.T @ B                                 # [NBX, NBY]

    C = (wt / (dx + eps))[:, None] * ov_x       # [N, NBX]
    V = C.T @ ov_y                              # [NBX, NBY]

    H = H * (1.0 / (BSX * BSY * UNIT_H_CAP))
    V = V * (1.0 / (BSX * BSY * UNIT_V_CAP))

    route = jnp.maximum(jnp.abs(H), jnp.abs(V))
    route = jnp.clip(route, MIN_RATE, MAX_RATE)
    return route

if __name__ == "__main__":
    import jax
    _d = setup_inputs()
    print(jax.jit(kernel)(*tuple(_d.values())))

</pallas_src>

<mosaic_0001>
#map = affine_map<(d0, d1) -> (0)>
module attributes {stable_mosaic.version = 14 : i64} {
  func.func @_sc_bbox_body(%arg0: i32, %arg1: i32, %arg2: memref<50417xi32, #tpu.memory_space<hbm>>, %arg3: memref<258200xi32, #tpu.memory_space<hbm>>, %arg4: memref<500000xf32, #tpu.memory_space<hbm>>, %arg5: memref<500000xf32, #tpu.memory_space<hbm>>, %arg6: memref<50176xf32, #tpu.memory_space<hbm>>, %arg7: memref<50176xf32, #tpu.memory_space<hbm>>, %arg8: memref<50176xf32, #tpu.memory_space<hbm>>, %arg9: memref<50176xf32, #tpu.memory_space<hbm>>, %arg10: memref<1808xi32, #tpu.memory_space<vmem>>, %arg11: memref<1792xi32, #tpu.memory_space<vmem>>, %arg12: memref<112xi32, #tpu.memory_space<vmem>>, %arg13: memref<8192xi32, #tpu.memory_space<vmem>>, %arg14: memref<8192xf32, #tpu.memory_space<vmem>>, %arg15: memref<8192xf32, #tpu.memory_space<vmem>>, %arg16: memref<8192xi32, #tpu.memory_space<vmem>>, %arg17: memref<8192xf32, #tpu.memory_space<vmem>>, %arg18: memref<8192xf32, #tpu.memory_space<vmem>>, %arg19: memref<1568xf32, #tpu.memory_space<vmem>>, %arg20: memref<1568xf32, #tpu.memory_space<vmem>>, %arg21: memref<1568xf32, #tpu.memory_space<vmem>>, %arg22: memref<1568xf32, #tpu.memory_space<vmem>>, %arg23: memref<!tpu.dma_semaphore, #tpu.memory_space<semaphore_mem>>, %arg24: memref<!tpu.dma_semaphore, #tpu.memory_space<semaphore_mem>>, %arg25: memref<!tpu.dma_semaphore, #tpu.memory_space<semaphore_mem>>, %arg26: memref<!tpu.dma_semaphore, #tpu.memory_space<semaphore_mem>>) attributes {dimension_semantics = [#tpu.dimension_semantics<core_parallel>, #tpu.dimension_semantics<subcore_parallel>], iteration_bounds = array<i64: 2, 16>, scalar_prefetch = 0 : i64, scratch_operands = 17 : i64, tpu.core_type = #tpu.core_type<sc_vector_subcore>, window_params = [{transform_indices = #map}, {transform_indices = #map}, {transform_indices = #map}, {transform_indices = #map}, {transform_indices = #map}, {transform_indices = #map}, {transform_indices = #map}, {transform_indices = #map}]} {
    %mul3A = arith.constant 2 : i32
    %mul3A_0 = arith.muli %arg1, %mul3A : i32
    %add3A = arith.addi %mul3A_0, %arg0 : i32
    %mul3A_1 = arith.constant 1568 : i32
    %mul3A_2 = arith.muli %add3A, %mul3A_1 : i32
    "tpu.region"() ({
      %run_scoped3A = tpu.sem_alloc : memref<!tpu.dma_semaphore, #tpu.memory_space<semaphore_mem>>
      %dma_start3A_98 = tpu.memref_slice %arg2[%mul3A_2] : memref<50417xi32, #tpu.memory_space<hbm>> -> memref<1808xi32, #tpu.memory_space<hbm>>
      %dma_start3A_99 = tpu.memref_slice %arg2[%mul3A_2] : memref<50417xi32, #tpu.memory_space<hbm>> -> memref<1808xi32, #tpu.memory_space<hbm>>
      tpu.enqueue_dma source(%dma_start3A_99 : memref<1808xi32, #tpu.memory_space<hbm>>) target(%arg10 : memref<1808xi32, #tpu.memory_space<vmem>>) target_semaphore(%run_scoped3A : memref<!tpu.dma_semaphore, #tpu.memory_space<semaphore_mem>>)
      %dma_wait3A_100 = tpu.memref_slice %arg2[%mul3A_2] : memref<50417xi32, #tpu.memory_space<hbm>> -> memref<1808xi32, #tpu.memory_space<hbm>>
      %dma_wait3A_101 = tpu.memref_slice %arg2[%mul3A_2] : memref<50417xi32, #tpu.memory_space<hbm>> -> memref<1808xi32, #tpu.memory_space<hbm>>
      tpu.wait_dma2 semaphore(%run_scoped3A : memref<!tpu.dma_semaphore, #tpu.memory_space<semaphore_mem>>) src(%dma_wait3A_101 : memref<1808xi32, #tpu.memory_space<hbm>>) dst(%arg10 : memref<1808xi32, #tpu.memory_space<vmem>>)
      tpu.yield
    }) : () -> ()
    %broadcast_in_dim3A = arith.constant 0x7F800000 : f32
    %broadcast_in_dim3A_3 = vector.broadcast %broadcast_in_dim3A : f32 to vector<16xf32>
    %broadcast_in_dim3A_4 = arith.constant 0xFF800000 : f32
    %broadcast_in_dim3A_5 = vector.broadcast %broadcast_in_dim3A_4 : f32 to vector<16xf32>
    %iota3A = tpu.iota {dimensions = array<i32: 0>} : vector<16xi32>
    %get3A = arith.constant 0 : index
    %get3A_6 = tpu.vector_load %arg10[%get3A] {strides = array<i32>} : memref<1808xi32, #tpu.memory_space<vmem>>, vector<16xi32>,
    %slice3A = vector.extract_strided_slice %get3A_6 {offsets = [0], sizes = [1], strides = [1]} : vector<16xi32> to vector<1xi32>
    %squeeze3A = vector.extract %slice3A[0] : i32 from vector<1xi32>
    %get3A_7 = arith.constant 1568 : index
    %get3A_8 = tpu.vector_load %arg10[%get3A_7] {strides = array<i32>} : memref<1808xi32, #tpu.memory_space<vmem>>, vector<16xi32>,
    %slice3A_9 = vector.extract_strided_slice %get3A_8 {offsets = [0], sizes = [1], strides = [1]} : vector<16xi32> to vector<1xi32>
    %squeeze3A_10 = vector.extract %slice3A_9[0] : i32 from vector<1xi32>
    %jit3A = arith.constant 8 : i32
    %div3A = arith.divsi %squeeze3A, %jit3A : i32
    %sign3A = arith.constant 0 : i32
    %sign3A_11 = arith.cmpi sgt, %squeeze3A, %sign3A : i32
    %sign3A_12 = arith.extui %sign3A_11 : i1 to i32
    %sign3A_13 = arith.constant 0 : i32
    %sign3A_14 = arith.cmpi slt, %squeeze3A, %sign3A_13 : i32
    %sign3A_15 = arith.extui %sign3A_14 : i1 to i32
    %sign3A_16 = arith.subi %sign3A_12, %sign3A_15 : i32
    %sign3A_17 = arith.constant 0 : i32
    %sign3A_18 = arith.cmpi sgt, %jit3A, %sign3A_17 : i32
    %sign3A_19 = arith.extui %sign3A_18 : i1 to i32
    %sign3A_20 = arith.constant 0 : i32
    %sign3A_21 = arith.cmpi slt, %jit3A, %sign3A_20 : i32
    %sign3A_22 = arith.extui %sign3A_21 : i1 to i32
    %sign3A_23 = arith.subi %sign3A_19, %sign3A_22 : i32
    %ne3A = arith.cmpi ne, %sign3A_16, %sign3A_23 : i32
    %rem3A = arith.remsi %squeeze3A, %jit3A : i32
    %ne3A_24 = arith.constant 0 : i32
    %ne3A_25 = arith.cmpi ne, %rem3A, %ne3A_24 : i32
    %and3A = arith.andi %ne3A, %ne3A_25 : i1
    %sub3A = arith.constant 1 : i32
    %sub3A_26 = arith.subi %div3A, %sub3A : i32
    %select_n3A = arith.select %and3A, %sub3A_26, %div3A : i32
    %mul3A_27 = arith.constant 8 : i32
    %mul3A_28 = arith.muli %select_n3A, %mul3A_27 : i32
    %sub3A_29 = arith.subi %squeeze3A_10, %mul3A_28 : i32
    %add3A_30 = arith.constant 8192 : i32
    %add3A_31 = arith.addi %sub3A_29, %add3A_30 : i32
    %sub3A_32 = arith.constant 1 : i32
    %sub3A_33 = arith.subi %add3A_31, %sub3A_32 : i32
    %jit3A_34 = arith.constant 8192 : i32
    %div3A_35 = arith.divsi %sub3A_33, %jit3A_34 : i32
    %sign3A_36 = arith.constant 0 : i32
    %sign3A_37 = arith.cmpi sgt, %sub3A_33, %sign3A_36 : i32
    %sign3A_38 = arith.extui %sign3A_37 : i1 to i32
    %sign3A_39 = arith.constant 0 : i32
    %sign3A_40 = arith.cmpi slt, %sub3A_33, %sign3A_39 : i32
    %sign3A_41 = arith.extui %sign3A_40 : i1 to i32
    %sign3A_42 = arith.subi %sign3A_38, %sign3A_41 : i32
    %sign3A_43 = arith.constant 0 : i32
    %sign3A_44 = arith.cmpi sgt, %jit3A_34, %sign3A_43 : i32
    %sign3A_45 = arith.extui %sign3A_44 : i1 to i32
    %sign3A_46 = arith.constant 0 : i32
    %sign3A_47 = arith.cmpi slt, %jit3A_34, %sign3A_46 : i32
    %sign3A_48 = arith.extui %sign3A_47 : i1 to i32
    %sign3A_49 = arith.subi %sign3A_45, %sign3A_48 : i32
    %ne3A_50 = arith.cmpi ne, %sign3A_42, %sign3A_49 : i32
    %rem3A_51 = arith.remsi %sub3A_33, %jit3A_34 : i32
    %ne3A_52 = arith.constant 0 : i32
    %ne3A_53 = arith.cmpi ne, %rem3A_51, %ne3A_52 : i32
    %and3A_54 = arith.andi %ne3A_50, %ne3A_53 : i1
    %sub3A_55 = arith.constant 1 : i32
    %sub3A_56 = arith.subi %div3A_35, %sub3A_55 : i32
    %select_n3A_57 = arith.select %and3A_54, %sub3A_56, %div3A_35 : i32
    %max3A = arith.constant 1 : i32
    %max3A_58 = arith.maxsi %select_n3A_57, %max3A : i32
    %scan3A = arith.constant 0 : i32
    %scan3A_59 = arith.constant 0 : i32
    %scan3A_60 = arith.constant 112 : i32
    %scan3A_61 = arith.addi %scan3A_59, %scan3A_60 : i32
    %scan3A_62 = arith.constant 1 : i32
    scf.for %scan3A_98 = %scan3A_59 to %scan3A_61 step %scan3A_62  : i32 {
      %mul3A_99 = arith.constant 16 : i32
      %mul3A_100 = arith.muli %scan3A_98, %mul3A_99 : i32
      %add3A_101 = vector.broadcast %mul3A_100 : i32 to vector<16xi32>
      %add3A_102 = arith.addi %iota3A, %add3A_101 : vector<16xi32>
      %gather3A = tpu.vector_load_idx %arg10[%add3A_102] : memref<1808xi32, #tpu.memory_space<vmem>>[vector<16xi32>], vector<16xi32>,
      %add3A_103 = vector.broadcast %mul3A_100 : i32 to vector<16xi32>
      %add3A_104 = arith.addi %iota3A, %add3A_103 : vector<16xi32>
      %add3A_105 = arith.constant 1 : i32
      %add3A_106 = vector.broadcast %add3A_105 : i32 to vector<16xi32>
      %add3A_107 = arith.addi %add3A_104, %add3A_106 : vector<16xi32>
      %gather3A_108 = tpu.vector_load_idx %arg10[%add3A_107] : memref<1808xi32, #tpu.memory_space<vmem>>[vector<16xi32>], vector<16xi32>,
      %sub3A_109 = arith.subi %gather3A_108, %gather3A : vector<16xi32>
      %swap3A = arith.index_cast %mul3A_100 : i32 to index
      %swap3A_110 = tpu.vector_load %arg11[%swap3A] {strides = array<i32>} : memref<1792xi32, #tpu.memory_space<vmem>>, vector<16xi32>,
      tpu.vector_store %arg11[%swap3A], %sub3A_109 {strides = array<i32>} : memref<1792xi32, #tpu.memory_space<vmem>>, vector<16xi32>,
    }
    %scan3A_63 = arith.constant 112 : i32
    %scan3A_64 = arith.constant 0 : i32
    %scan3A_65 = arith.constant 0 : i32
    %scan3A_66 = arith.constant 7 : i32
    %scan3A_67 = arith.addi %scan3A_65, %scan3A_66 : i32
    %scan3A_68 = arith.constant 1 : i32
    scf.for %scan3A_98 = %scan3A_65 to %scan3A_67 step %scan3A_68  : i32 {
      %mul3A_99 = arith.constant 256 : i32
      %mul3A_100 = arith.muli %scan3A_98, %mul3A_99 : i32
      %mul3A_101 = arith.constant 16 : i32
      %mul3A_102 = vector.broadcast %mul3A_101 : i32 to vector<16xi32>
      %mul3A_103 = arith.muli %iota3A, %mul3A_102 : vector<16xi32>
      %add3A_104 = vector.broadcast %mul3A_100 : i32 to vector<16xi32>
      %add3A_105 = arith.addi %add3A_104, %mul3A_103 : vector<16xi32>
      %gather3A = tpu.vector_load_idx %arg11[%add3A_105] : memref<1792xi32, #tpu.memory_space<vmem>>[vector<16xi32>], vector<16xi32>,
      %add3A_106 = arith.constant 1 : i32
      %add3A_107 = vector.broadcast %add3A_106 : i32 to vector<16xi32>
      %add3A_108 = arith.addi %add3A_105, %add3A_107 : vector<16xi32>
      %gather3A_109 = tpu.vector_load_idx %arg11[%add3A_108] : memref<1792xi32, #tpu.memory_space<vmem>>[vector<16xi32>], vector<16xi32>,
      %max3A_110 = arith.maxsi %gather3A, %gather3A_109 : vector<16xi32>
      %add3A_111 = arith.constant 2 : i32
      %add3A_112 = vector.broadcast %add3A_111 : i32 to vector<16xi32>
      %add3A_113 = arith.addi %add3A_105, %add3A_112 : vector<16xi32>
      %gather3A_114 = tpu.vector_load_idx %arg11[%add3A_113] : memref<1792xi32, #tpu.memory_space<vmem>>[vector<16xi32>], vector<16xi32>,
      %max3A_115 = arith.maxsi %max3A_110, %gather3A_114 : vector<16xi32>
      %add3A_116 = arith.constant 3 : i32
      %add3A_117 = vector.broadcast %add3A_116 : i32 to vector<16xi32>
      %add3A_118 = arith.addi %add3A_105, %add3A_117 : vector<16xi32>
      %gather3A_119 = tpu.vector_load_idx %arg11[%add3A_118] : memref<1792xi32, #tpu.memory_space<vmem>>[vector<16xi32>], vector<16xi32>,
      %max3A_120 = arith.maxsi %max3A_115, %gather3A_119 : vector<16xi32>
      %add3A_121 = arith.constant 4 : i32
      %add3A_122 = vector.broadcast %add3A_121 : i32 to vector<16xi32>
      %add3A_123 = arith.addi %add3A_105, %add3A_122 : vector<16xi32>
      %gather3A_124 = tpu.vector_load_idx %arg11[%add3A_123] : memref<1792xi32, #tpu.memory_space<vmem>>[vector<16xi32>], vector<16xi32>,
      %max3A_125 = arith.maxsi %max3A_120, %gather3A_124 : vector<16xi32>
      %add3A_126 = arith.constant 5 : i32
      %add3A_127 = vector.broadcast %add3A_126 : i32 to vector<16xi32>
      %add3A_128 = arith.addi %add3A_105, %add3A_127 : vector<16xi32>
      %gather3A_129 = tpu.vector_load_idx %arg11[%add3A_128] : memref<1792xi32, #tpu.memory_space<vmem>>[vector<16xi32>], vector<16xi32>,
      %max3A_130 = arith.maxsi %max3A_125, %gather3A_129 : vector<16xi32>
      %add3A_131 = arith.constant 6 : i32
      %add3A_132 = vector.broadcast %add3A_131 : i32 to vector<16xi32>
      %add3A_133 = arith.addi %add3A_105, %add3A_132 : vector<16xi32>
      %gather3A_134 = tpu.vector_load_idx %arg11[%add3A_133] : memref<1792xi32, #tpu.memory_space<vmem>>[vector<16xi32>], vector<16xi32>,
      %max3A_135 = arith.maxsi %max3A_130, %gather3A_134 : vector<16xi32>
      %add3A_136 = arith.constant 7 : i32
      %add3A_137 = vector.broadcast %add3A_136 : i32 to vector<16xi32>
      %add3A_138 = arith.addi %add3A_105, %add3A_137 : vector<16xi32>
      %gather3A_139 = tpu.vector_load_idx %arg11[%add3A_138] : memref<1792xi32, #tpu.memory_space<vmem>>[vector<16xi32>], vector<16xi32>,
      %max3A_140 = arith.maxsi %max3A_135, %gather3A_139 : vector<16xi32>
      %add3A_141 = arith.constant 8 : i32
      %add3A_142 = vector.broadcast %add3A_141 : i32 to vector<16xi32>
      %add3A_143 = arith.addi %add3A_105, %add3A_142 : vector<16xi32>
      %gather3A_144 = tpu.vector_load_idx %arg11[%add3A_143] : memref<1792xi32, #tpu.memory_space<vmem>>[vector<16xi32>], vector<16xi32>,
      %max3A_145 = arith.maxsi %max3A_140, %gather3A_144 : vector<16xi32>
      %add3A_146 = arith.constant 9 : i32
      %add3A_147 = vector.broadcast %add3A_146 : i32 to vector<16xi32>
      %add3A_148 = arith.addi %add3A_105, %add3A_147 : vector<16xi32>
      %gather3A_149 = tpu.vector_load_idx %arg11[%add3A_148] : memref<1792xi32, #tpu.memory_space<vmem>>[vector<16xi32>], vector<16xi32>,
      %max3A_150 = arith.maxsi %max3A_145, %gather3A_149 : vector<16xi32>
      %add3A_151 = arith.constant 10 : i32
      %add3A_152 = vector.broadcast %add3A_151 : i32 to vector<16xi32>
      %add3A_153 = arith.addi %add3A_105, %add3A_152 : vector<16xi32>
      %gather3A_154 = tpu.vector_load_idx %arg11[%add3A_153] : memref<1792xi32, #tpu.memory_space<vmem>>[vector<16xi32>], vector<16xi32>,
      %max3A_155 = arith.maxsi %max3A_150, %gather3A_154 : vector<16xi32>
      %add3A_156 = arith.constant 11 : i32
      %add3A_157 = vector.broadcast %add3A_156 : i32 to vector<16xi32>
      %add3A_158 = arith.addi %add3A_105, %add3A_157 : vector<16xi32>
      %gather3A_159 = tpu.vector_load_idx %arg11[%add3A_158] : memref<1792xi32, #tpu.memory_space<vmem>>[vector<16xi32>], vector<16xi32>,
      %max3A_160 = arith.maxsi %max3A_155, %gather3A_159 : vector<16xi32>
      %add3A_161 = arith.constant 12 : i32
      %add3A_162 = vector.broadcast %add3A_161 : i32 to vector<16xi32>
      %add3A_163 = arith.addi %add3A_105, %add3A_162 : vector<16xi32>
      %gather3A_164 = tpu.vector_load_idx %arg11[%add3A_163] : memref<1792xi32, #tpu.memory_space<vmem>>[vector<16xi32>], vector<16xi32>,
      %max3A_165 = arith.maxsi %max3A_160, %gather3A_164 : vector<16xi32>
      %add3A_166 = arith.constant 13 : i32
      %add3A_167 = vector.broadcast %add3A_166 : i32 to vector<16xi32>
      %add3A_168 = arith.addi %add3A_105, %add3A_167 : vector<16xi32>
      %gather3A_169 = tpu.vector_load_idx %arg11[%add3A_168] : memref<1792xi32, #tpu.memory_space<vmem>>[vector<16xi32>], vector<16xi32>,
      %max3A_170 = arith.maxsi %max3A_165, %gather3A_169 : vector<16xi32>
      %add3A_171 = arith.constant 14 : i32
      %add3A_172 = vector.broadcast %add3A_171 : i32 to vector<16xi32>
      %add3A_173 = arith.addi %add3A_105, %add3A_172 : vector<16xi32>
      %gather3A_174 = tpu.vector_load_idx %arg11[%add3A_173] : memref<1792xi32, #tpu.memory_space<vmem>>[vector<16xi32>], vector<16xi32>,
      %max3A_175 = arith.maxsi %max3A_170, %gather3A_174 : vector<16xi32>
      %add3A_176 = arith.constant 15 : i32
      %add3A_177 = vector.broadcast %add3A_176 : i32 to vector<16xi32>
      %add3A_178 = arith.addi %add3A_105, %add3A_177 : vector<16xi32>
      %gather3A_179 = tpu.vector_load_idx %arg11[%add3A_178] : memref<1792xi32, #tpu.memory_space<vmem>>[vector<16xi32>], vector<16xi32>,
      %max3A_180 = arith.maxsi %max3A_175, %gather3A_179 : vector<16xi32>
      %mul3A_181 = arith.constant 16 : i32
      %mul3A_182 = arith.muli %scan3A_98, %mul3A_181 : i32
      %swap3A = arith.index_cast %mul3A_182 : i32 to index
      %swap3A_183 = tpu.vector_load %arg12[%swap3A] {strides = array<i32>} : memref<112xi32, #tpu.memory_space<vmem>>, vector<16xi32>,
      tpu.vector_store %arg12[%swap3A], %max3A_180 {strides = array<i32>} : memref<112xi32, #tpu.memory_space<vmem>>, vector<16xi32>,
    }
    %scan3A_69 = arith.constant 7 : i32
    "tpu.region"() ({
      %run_scoped3A = tpu.sem_alloc : memref<!tpu.dma_semaphore, #tpu.memory_space<semaphore_mem>>
      %dma_start3A_98 = tpu.memref_slice %arg3[%mul3A_28] : memref<258200xi32, #tpu.memory_space<hbm>> -> memref<8192xi32, #tpu.memory_space<hbm>>
      %dma_start3A_99 = tpu.memref_slice %arg3[%mul3A_28] : memref<258200xi32, #tpu.memory_space<hbm>> -> memref<8192xi32, #tpu.memory_space<hbm>>
      tpu.enqueue_dma source(%dma_start3A_99 : memref<8192xi32, #tpu.memory_space<hbm>>) target(%arg13 : memref<8192xi32, #tpu.memory_space<vmem>>) target_semaphore(%run_scoped3A : memref<!tpu.dma_semaphore, #tpu.memory_space<semaphore_mem>>)
      %dma_wait3A_100 = tpu.memref_slice %arg3[%mul3A_28] : memref<258200xi32, #tpu.memory_space<hbm>> -> memref<8192xi32, #tpu.memory_space<hbm>>
      %dma_wait3A_101 = tpu.memref_slice %arg3[%mul3A_28] : memref<258200xi32, #tpu.memory_space<hbm>> -> memref<8192xi32, #tpu.memory_space<hbm>>
      tpu.wait_dma2 semaphore(%run_scoped3A : memref<!tpu.dma_semaphore, #tpu.memory_space<semaphore_mem>>) src(%dma_wait3A_101 : memref<8192xi32, #tpu.memory_space<hbm>>) dst(%arg13 : memref<8192xi32, #tpu.memory_space<vmem>>)
      tpu.yield
    }) : () -> ()
    %dma_start3A = arith.constant 0 : i32
    %dma_start3A_70 = tpu.memref_slice %arg4[%dma_start3A] : memref<500000xf32, #tpu.memory_space<hbm>> -> memref<500000xf32, #tpu.memory_space<hbm>>
    tpu.enqueue_indirect_dma source(%dma_start3A_70 : memref<500000xf32, #tpu.memory_space<hbm>>) target(%arg14 : memref<8192xf32, #tpu.memory_space<vmem>>) offsets(%arg13 : memref<8192xi32, #tpu.memory_space<vmem>>) semaphore(%arg23 : memref<!tpu.dma_semaphore, #tpu.memory_space<semaphore_mem>>)
    %dma_start3A_71 = arith.constant 0 : i32
    %dma_start3A_72 = tpu.memref_slice %arg5[%dma_start3A_71] : memref<500000xf32, #tpu.memory_space<hbm>> -> memref<500000xf32, #tpu.memory_space<hbm>>
    tpu.enqueue_indirect_dma source(%dma_start3A_72 : memref<500000xf32, #tpu.memory_space<hbm>>) target(%arg15 : memref<8192xf32, #tpu.memory_space<vmem>>) offsets(%arg13 : memref<8192xi32, #tpu.memory_space<vmem>>) semaphore(%arg24 : memref<!tpu.dma_semaphore, #tpu.memory_space<semaphore_mem>>)
    %ge3A = arith.constant 2 : i32
    %ge3A_73 = arith.cmpi sge, %max3A_58, %ge3A : i32
    %convert_element_type3A = arith.extui %ge3A_73 : i1 to i32
    %cond3A = arith.constant 0 : i32
    %cond3A_74 = arith.cmpi ne, %convert_element_type3A, %cond3A : i32
    scf.if %cond3A_74 {
      %add3A_98 = arith.constant 8192 : i32
      %add3A_99 = arith.addi %mul3A_28, %add3A_98 : i32
      "tpu.region"() ({
        %run_scoped3A = tpu.sem_alloc : memref<!tpu.dma_semaphore, #tpu.memory_space<semaphore_mem>>
        %dma_start3A_104 = tpu.memref_slice %arg3[%add3A_99] : memref<258200xi32, #tpu.memory_space<hbm>> -> memref<8192xi32, #tpu.memory_space<hbm>>
        %dma_start3A_105 = tpu.memref_slice %arg3[%add3A_99] : memref<258200xi32, #tpu.memory_space<hbm>> -> memref<8192xi32, #tpu.memory_space<hbm>>
        tpu.enqueue_dma source(%dma_start3A_105 : memref<8192xi32, #tpu.memory_space<hbm>>) target(%arg16 : memref<8192xi32, #tpu.memory_space<vmem>>) target_semaphore(%run_scoped3A : memref<!tpu.dma_semaphore, #tpu.memory_space<semaphore_mem>>)
        %dma_wait3A_106 = tpu.memref_slice %arg3[%add3A_99] : memref<258200xi32, #tpu.memory_space<hbm>> -> memref<8192xi32, #tpu.memory_space<hbm>>
        %dma_wait3A_107 = tpu.memref_slice %arg3[%add3A_99] : memref<258200xi32, #tpu.memory_space<hbm>> -> memref<8192xi32, #tpu.memory_space<hbm>>
        tpu.wait_dma2 semaphore(%run_scoped3A : memref<!tpu.dma_semaphore, #tpu.memory_space<semaphore_mem>>) src(%dma_wait3A_107 : memref<8192xi32, #tpu.memory_space<hbm>>) dst(%arg16 : memref<8192xi32, #tpu.memory_space<vmem>>)
        tpu.yield
      }) : () -> ()
      %dma_start3A_100 = arith.constant 0 : i32
      %dma_start3A_101 = tpu.memref_slice %arg4[%dma_start3A_100] : memref<500000xf32, #tpu.memory_space<hbm>> -> memref<500000xf32, #tpu.memory_space<hbm>>
      tpu.enqueue_indirect_dma source(%dma_start3A_101 : memref<500000xf32, #tpu.memory_space<hbm>>) target(%arg17 : memref<8192xf32, #tpu.memory_space<vmem>>) offsets(%arg16 : memref<8192xi32, #tpu.memory_space<vmem>>) semaphore(%arg25 : memref<!tpu.dma_semaphore, #tpu.memory_space<semaphore_mem>>)
      %dma_start3A_102 = arith.constant 0 : i32
      %dma_start3A_103 = tpu.memref_slice %arg5[%dma_start3A_102] : memref<500000xf32, #tpu.memory_space<hbm>> -> memref<500000xf32, #tpu.memory_space<hbm>>
      tpu.enqueue_indirect_dma source(%dma_start3A_103 : memref<500000xf32, #tpu.memory_space<hbm>>) target(%arg18 : memref<8192xf32, #tpu.memory_space<vmem>>) offsets(%arg16 : memref<8192xi32, #tpu.memory_space<vmem>>) semaphore(%arg26 : memref<!tpu.dma_semaphore, #tpu.memory_space<semaphore_mem>>)
    } else {
    }
    %dma_wait3A = arith.constant 0 : i32
    %dma_wait3A_75 = tpu.memref_slice %arg4[%dma_wait3A] : memref<500000xf32, #tpu.memory_space<hbm>> -> memref<500000xf32, #tpu.memory_space<hbm>>
    tpu.wait_indirect_dma semaphore(%arg23 : memref<!tpu.dma_semaphore, #tpu.memory_space<semaphore_mem>>) src(%dma_wait3A_75 : memref<500000xf32, #tpu.memory_space<hbm>>) dst(%arg14 : memref<8192xf32, #tpu.memory_space<vmem>>)
    %dma_wait3A_76 = arith.constant 0 : i32
    %dma_wait3A_77 = tpu.memref_slice %arg5[%dma_wait3A_76] : memref<500000xf32, #tpu.memory_space<hbm>> -> memref<500000xf32, #tpu.memory_space<hbm>>
    tpu.wait_indirect_dma semaphore(%arg24 : memref<!tpu.dma_semaphore, #tpu.memory_space<semaphore_mem>>) src(%dma_wait3A_77 : memref<500000xf32, #tpu.memory_space<hbm>>) dst(%arg15 : memref<8192xf32, #tpu.memory_space<vmem>>)
    %scan3A_78 = arith.constant 0 : i32
    %scan3A_79 = arith.constant 0 : i32
    %scan3A_80 = arith.constant 98 : i32
    %scan3A_81 = arith.addi %scan3A_79, %scan3A_80 : i32
    %scan3A_82 = arith.constant 1 : i32
    scf.for %scan3A_98 = %scan3A_79 to %scan3A_81 step %scan3A_82  : i32 {
      %mul3A_99 = arith.constant 16 : i32
      %mul3A_100 = arith.muli %scan3A_98, %mul3A_99 : i32
      %add3A_101 = vector.broadcast %mul3A_100 : i32 to vector<16xi32>
      %add3A_102 = arith.addi %iota3A, %add3A_101 : vector<16xi32>
      %gather3A = tpu.vector_load_idx %arg10[%add3A_102] : memref<1808xi32, #tpu.memory_space<vmem>>[vector<16xi32>], vector<16xi32>,
      %add3A_103 = vector.broadcast %mul3A_100 : i32 to vector<16xi32>
      %add3A_104 = arith.addi %iota3A, %add3A_103 : vector<16xi32>
      %add3A_105 = arith.constant 1 : i32
      %add3A_106 = vector.broadcast %add3A_105 : i32 to vector<16xi32>
      %add3A_107 = arith.addi %add3A_104, %add3A_106 : vector<16xi32>
      %gather3A_108 = tpu.vector_load_idx %arg10[%add3A_107] : memref<1808xi32, #tpu.memory_space<vmem>>[vector<16xi32>], vector<16xi32>,
      %sub3A_109 = vector.broadcast %mul3A_28 : i32 to vector<16xi32>
      %sub3A_110 = arith.subi %gather3A, %sub3A_109 : vector<16xi32>
      %sub3A_111 = vector.broadcast %mul3A_28 : i32 to vector<16xi32>
      %sub3A_112 = arith.subi %gather3A_108, %sub3A_111 : vector<16xi32>
      %max3A_113 = arith.constant 0 : i32
      %max3A_114 = vector.broadcast %max3A_113 : i32 to vector<16xi32>
      %max3A_115 = arith.maxsi %sub3A_110, %max3A_114 : vector<16xi32>
      %min3A = arith.constant 8192 : i32
      %min3A_116 = vector.broadcast %min3A : i32 to vector<16xi32>
      %min3A_117 = arith.minsi %sub3A_112, %min3A_116 : vector<16xi32>
      %sub3A_118 = arith.constant 1 : i32
      %sub3A_119 = vector.broadcast %sub3A_118 : i32 to vector<16xi32>
      %sub3A_120 = arith.subi %min3A_117, %sub3A_119 : vector<16xi32>
      %max3A_121 = arith.constant 0 : i32
      %max3A_122 = vector.broadcast %max3A_121 : i32 to vector<16xi32>
      %max3A_123 = arith.maxsi %sub3A_120, %max3A_122 : vector<16xi32>
      %mul3A_124 = arith.constant 0 : i32
      %mul3A_125 = vector.broadcast %mul3A_124 : i32 to vector<16xi32>
      %mul3A_126 = arith.muli %iota3A, %mul3A_125 : vector<16xi32>
      %add3A_127 = vector.broadcast %scan3A_98 : i32 to vector<16xi32>
      %add3A_128 = arith.addi %mul3A_126, %add3A_127 : vector<16xi32>
      %gather3A_129 = tpu.vector_load_idx %arg12[%add3A_128] : memref<112xi32, #tpu.memory_space<vmem>>[vector<16xi32>], vector<16xi32>,
      %slice3A_130 = vector.extract_strided_slice %gather3A_129 {offsets = [0], sizes = [1], strides = [1]} : vector<16xi32> to vector<1xi32>
      %squeeze3A_131 = vector.extract %slice3A_130[0] : i32 from vector<1xi32>
      %add3A_132 = arith.constant 3 : i32
      %add3A_133 = arith.addi %squeeze3A_131, %add3A_132 : i32
      %jit3A_134 = arith.constant 4 : i32
      %div3A_135 = arith.divsi %add3A_133, %jit3A_134 : i32
      %sign3A_136 = arith.constant 0 : i32
      %sign3A_137 = arith.cmpi sgt, %add3A_133, %sign3A_136 : i32
      %sign3A_138 = arith.extui %sign3A_137 : i1 to i32
      %sign3A_139 = arith.constant 0 : i32
      %sign3A_140 = arith.cmpi slt, %add3A_133, %sign3A_139 : i32
      %sign3A_141 = arith.extui %sign3A_140 : i1 to i32
      %sign3A_142 = arith.subi %sign3A_138, %sign3A_141 : i32
      %sign3A_143 = arith.constant 0 : i32
      %sign3A_144 = arith.cmpi sgt, %jit3A_134, %sign3A_143 : i32
      %sign3A_145 = arith.extui %sign3A_144 : i1 to i32
      %sign3A_146 = arith.constant 0 : i32
      %sign3A_147 = arith.cmpi slt, %jit3A_134, %sign3A_146 : i32
      %sign3A_148 = arith.extui %sign3A_147 : i1 to i32
      %sign3A_149 = arith.subi %sign3A_145, %sign3A_148 : i32
      %ne3A_150 = arith.cmpi ne, %sign3A_142, %sign3A_149 : i32
      %rem3A_151 = arith.remsi %add3A_133, %jit3A_134 : i32
      %ne3A_152 = arith.constant 0 : i32
      %ne3A_153 = arith.cmpi ne, %rem3A_151, %ne3A_152 : i32
      %and3A_154 = arith.andi %ne3A_150, %ne3A_153 : i1
      %sub3A_155 = arith.constant 1 : i32
      %sub3A_156 = arith.subi %div3A_135, %sub3A_155 : i32
      %select_n3A_157 = arith.select %and3A_154, %sub3A_156, %div3A_135 : i32
      %while3A_158 = arith.constant 0 : i32
      %while3A_159 = arith.subi %select_n3A_157, %while3A_158 : i32
      %while3A_160 = arith.addi %while3A_158, %while3A_159 : i32
      %while3A_161 = arith.constant 1 : i32
      %while3A_162 = arith.divsi %while3A_159, %while3A_161 : i32
      %while3A_163 = arith.muli %while3A_162, %while3A_161 : i32
      %while3A_164 = arith.addi %while3A_158, %while3A_163 : i32
      %while3A_165 = arith.constant 1 : i32
      %while3A_166:4 = scf.for %while3A_188 = %while3A_158 to %while3A_164 step %while3A_165 iter_args(%while3A_189 = %broadcast_in_dim3A_3, %while3A_190 = %broadcast_in_dim3A_5, %while3A_191 = %broadcast_in_dim3A_3, %while3A_192 = %broadcast_in_dim3A_5) -> (vector<16xf32>, vector<16xf32>, vector<16xf32>, vector<16xf32>)  : i32 {
        %mul3A_193 = arith.constant 4 : i32
        %mul3A_194 = arith.muli %while3A_188, %mul3A_193 : i32
        %add3A_195 = arith.constant 0 : i32
        %add3A_196 = arith.addi %mul3A_194, %add3A_195 : i32
        %add3A_197 = vector.broadcast %add3A_196 : i32 to vector<16xi32>
        %add3A_198 = arith.addi %max3A_115, %add3A_197 : vector<16xi32>
        %min3A_199 = arith.minsi %add3A_198, %max3A_123 : vector<16xi32>
        %gather3A_200 = tpu.vector_load_idx %arg14[%min3A_199] : memref<8192xf32, #tpu.memory_space<vmem>>[vector<16xi32>], vector<16xf32>,
        %gather3A_201 = tpu.vector_load_idx %arg15[%min3A_199] : memref<8192xf32, #tpu.memory_space<vmem>>[vector<16xi32>], vector<16xf32>,
        %min3A_202 = arith.minimumf %while3A_189, %gather3A_200 : vector<16xf32>
        %max3A_203 = arith.maximumf %while3A_190, %gather3A_200 : vector<16xf32>
        %min3A_204 = arith.minimumf %while3A_191, %gather3A_201 : vector<16xf32>
        %max3A_205 = arith.maximumf %while3A_192, %gather3A_201 : vector<16xf32>
        %mul3A_206 = arith.constant 4 : i32
        %mul3A_207 = arith.muli %while3A_188, %mul3A_206 : i32
        %add3A_208 = arith.constant 1 : i32
        %add3A_209 = arith.addi %mul3A_207, %add3A_208 : i32
        %add3A_210 = vector.broadcast %add3A_209 : i32 to vector<16xi32>
        %add3A_211 = arith.addi %max3A_115, %add3A_210 : vector<16xi32>
        %min3A_212 = arith.minsi %add3A_211, %max3A_123 : vector<16xi32>
        %gather3A_213 = tpu.vector_load_idx %arg14[%min3A_212] : memref<8192xf32, #tpu.memory_space<vmem>>[vector<16xi32>], vector<16xf32>,
        %gather3A_214 = tpu.vector_load_idx %arg15[%min3A_212] : memref<8192xf32, #tpu.memory_space<vmem>>[vector<16xi32>], vector<16xf32>,
        %min3A_215 = arith.minimumf %min3A_202, %gather3A_213 : vector<16xf32>
        %max3A_216 = arith.maximumf %max3A_203, %gather3A_213 : vector<16xf32>
        %min3A_217 = arith.minimumf %min3A_204, %gather3A_214 : vector<16xf32>
        %max3A_218 = arith.maximumf %max3A_205, %gather3A_214 : vector<16xf32>
        %mul3A_219 = arith.constant 4 : i32
        %mul3A_220 = arith.muli %while3A_188, %mul3A_219 : i32
        %add3A_221 = arith.constant 2 : i32
        %add3A_222 = arith.addi %mul3A_220, %add3A_221 : i32
        %add3A_223 = vector.broadcast %add3A_222 : i32 to vector<16xi32>
        %add3A_224 = arith.addi %max3A_115, %add3A_223 : vector<16xi32>
        %min3A_225 = arith.minsi %add3A_224, %max3A_123 : vector<16xi32>
        %gather3A_226 = tpu.vector_load_idx %arg14[%min3A_225] : memref<8192xf32, #tpu.memory_space<vmem>>[vector<16xi32>], vector<16xf32>,
        %gather3A_227 = tpu.vector_load_idx %arg15[%min3A_225] : memref<8192xf32, #tpu.memory_space<vmem>>[vector<16xi32>], vector<16xf32>,
        %min3A_228 = arith.minimumf %min3A_215, %gather3A_226 : vector<16xf32>
        %max3A_229 = arith.maximumf %max3A_216, %gather3A_226 : vector<16xf32>
        %min3A_230 = arith.minimumf %min3A_217, %gather3A_227 : vector<16xf32>
        %max3A_231 = arith.maximumf %max3A_218, %gather3A_227 : vector<16xf32>
        %mul3A_232 = arith.constant 4 : i32
        %mul3A_233 = arith.muli %while3A_188, %mul3A_232 : i32
        %add3A_234 = arith.constant 3 : i32
        %add3A_235 = arith.addi %mul3A_233, %add3A_234 : i32
        %add3A_236 = vector.broadcast %add3A_235 : i32 to vector<16xi32>
        %add3A_237 = arith.addi %max3A_115, %add3A_236 : vector<16xi32>
        %min3A_238 = arith.minsi %add3A_237, %max3A_123 : vector<16xi32>
        %gather3A_239 = tpu.vector_load_idx %arg14[%min3A_238] : memref<8192xf32, #tpu.memory_space<vmem>>[vector<16xi32>], vector<16xf32>,
        %gather3A_240 = tpu.vector_load_idx %arg15[%min3A_238] : memref<8192xf32, #tpu.memory_space<vmem>>[vector<16xi32>], vector<16xf32>,
        %min3A_241 = arith.minimumf %min3A_228, %gather3A_239 : vector<16xf32>
        %max3A_242 = arith.maximumf %max3A_229, %gather3A_239 : vector<16xf32>
        %min3A_243 = arith.minimumf %min3A_230, %gather3A_240 : vector<16xf32>
        %max3A_244 = arith.maximumf %max3A_231, %gather3A_240 : vector<16xf32>
        scf.yield %min3A_241, %max3A_242, %min3A_243, %max3A_244 : vector<16xf32>, vector<16xf32>, vector<16xf32>, vector<16xf32>
      }
      %while3A_167 = arith.constant 1 : i32
      %while3A_168:4 = scf.for %while3A_188 = %while3A_164 to %while3A_160 step %while3A_167 iter_args(%while3A_189 = %while3A_166#0, %while3A_190 = %while3A_166#1, %while3A_191 = %while3A_166#2, %while3A_192 = %while3A_166#3) -> (vector<16xf32>, vector<16xf32>, vector<16xf32>, vector<16xf32>)  : i32 {
        %mul3A_193 = arith.constant 4 : i32
        %mul3A_194 = arith.muli %while3A_188, %mul3A_193 : i32
        %add3A_195 = arith.constant 0 : i32
        %add3A_196 = arith.addi %mul3A_194, %add3A_195 : i32
        %add3A_197 = vector.broadcast %add3A_196 : i32 to vector<16xi32>
        %add3A_198 = arith.addi %max3A_115, %add3A_197 : vector<16xi32>
        %min3A_199 = arith.minsi %add3A_198, %max3A_123 : vector<16xi32>
        %gather3A_200 = tpu.vector_load_idx %arg14[%min3A_199] : memref<8192xf32, #tpu.memory_space<vmem>>[vector<16xi32>], vector<16xf32>,
        %gather3A_201 = tpu.vector_load_idx %arg15[%min3A_199] : memref<8192xf32, #tpu.memory_space<vmem>>[vector<16xi32>], vector<16xf32>,
        %min3A_202 = arith.minimumf %while3A_189, %gather3A_200 : vector<16xf32>
        %max3A_203 = arith.maximumf %while3A_190, %gather3A_200 : vector<16xf32>
        %min3A_204 = arith.minimumf %while3A_191, %gather3A_201 : vector<16xf32>
        %max3A_205 = arith.maximumf %while3A_192, %gather3A_201 : vector<16xf32>
        %mul3A_206 = arith.constant 4 : i32
        %mul3A_207 = arith.muli %while3A_188, %mul3A_206 : i32
        %add3A_208 = arith.constant 1 : i32
        %add3A_209 = arith.addi %mul3A_207, %add3A_208 : i32
        %add3A_210 = vector.broadcast %add3A_209 : i32 to vector<16xi32>
        %add3A_211 = arith.addi %max3A_115, %add3A_210 : vector<16xi32>
        %min3A_212 = arith.minsi %add3A_211, %max3A_123 : vector<16xi32>
        %gather3A_213 = tpu.vector_load_idx %arg14[%min3A_212] : memref<8192xf32, #tpu.memory_space<vmem>>[vector<16xi32>], vector<16xf32>,
        %gather3A_214 = tpu.vector_load_idx %arg15[%min3A_212] : memref<8192xf32, #tpu.memory_space<vmem>>[vector<16xi32>], vector<16xf32>,
        %min3A_215 = arith.minimumf %min3A_202, %gather3A_213 : vector<16xf32>
        %max3A_216 = arith.maximumf %max3A_203, %gather3A_213 : vector<16xf32>
        %min3A_217 = arith.minimumf %min3A_204, %gather3A_214 : vector<16xf32>
        %max3A_218 = arith.maximumf %max3A_205, %gather3A_214 : vector<16xf32>
        %mul3A_219 = arith.constant 4 : i32
        %mul3A_220 = arith.muli %while3A_188, %mul3A_219 : i32
        %add3A_221 = arith.constant 2 : i32
        %add3A_222 = arith.addi %mul3A_220, %add3A_221 : i32
        %add3A_223 = vector.broadcast %add3A_222 : i32 to vector<16xi32>
        %add3A_224 = arith.addi %max3A_115, %add3A_223 : vector<16xi32>
        %min3A_225 = arith.minsi %add3A_224, %max3A_123 : vector<16xi32>
        %gather3A_226 = tpu.vector_load_idx %arg14[%min3A_225] : memref<8192xf32, #tpu.memory_space<vmem>>[vector<16xi32>], vector<16xf32>,
        %gather3A_227 = tpu.vector_load_idx %arg15[%min3A_225] : memref<8192xf32, #tpu.memory_space<vmem>>[vector<16xi32>], vector<16xf32>,
        %min3A_228 = arith.minimumf %min3A_215, %gather3A_226 : vector<16xf32>
        %max3A_229 = arith.maximumf %max3A_216, %gather3A_226 : vector<16xf32>
        %min3A_230 = arith.minimumf %min3A_217, %gather3A_227 : vector<16xf32>
        %max3A_231 = arith.maximumf %max3A_218, %gather3A_227 : vector<16xf32>
        %mul3A_232 = arith.constant 4 : i32
        %mul3A_233 = arith.muli %while3A_188, %mul3A_232 : i32
        %add3A_234 = arith.constant 3 : i32
        %add3A_235 = arith.addi %mul3A_233, %add3A_234 : i32
        %add3A_236 = vector.broadcast %add3A_235 : i32 to vector<16xi32>
        %add3A_237 = arith.addi %max3A_115, %add3A_236 : vector<16xi32>
        %min3A_238 = arith.minsi %add3A_237, %max3A_123 : vector<16xi32>
        %gather3A_239 = tpu.vector_load_idx %arg14[%min3A_238] : memref<8192xf32, #tpu.memory_space<vmem>>[vector<16xi32>], vector<16xf32>,
        %gather3A_240 = tpu.vector_load_idx %arg15[%min3A_238] : memref<8192xf32, #tpu.memory_space<vmem>>[vector<16xi32>], vector<16xf32>,
        %min3A_241 = arith.minimumf %min3A_228, %gather3A_239 : vector<16xf32>
        %max3A_242 = arith.maximumf %max3A_229, %gather3A_239 : vector<16xf32>
        %min3A_243 = arith.minimumf %min3A_230, %gather3A_240 : vector<16xf32>
        %max3A_244 = arith.maximumf %max3A_231, %gather3A_240 : vector<16xf32>
        scf.yield %min3A_241, %max3A_242, %min3A_243, %max3A_244 : vector<16xf32>, vector<16xf32>, vector<16xf32>, vector<16xf32>
      }
      %gt3A = arith.cmpi sgt, %min3A_117, %max3A_115 : vector<16xi32>
      %jit3A_169 = arith.constant 0x7F800000 : f32
      %broadcast_in_dim3A_170 = vector.broadcast %jit3A_169 : f32 to vector<16xf32>
      %select_n3A_171 = arith.select %gt3A, %while3A_168#0, %broadcast_in_dim3A_170 : vector<16xi1>, vector<16xf32>
      %jit3A_172 = arith.constant 0xFF800000 : f32
      %broadcast_in_dim3A_173 = vector.broadcast %jit3A_172 : f32 to vector<16xf32>
      %select_n3A_174 = arith.select %gt3A, %while3A_168#1, %broadcast_in_dim3A_173 : vector<16xi1>, vector<16xf32>
      %jit3A_175 = arith.constant 0x7F800000 : f32
      %broadcast_in_dim3A_176 = vector.broadcast %jit3A_175 : f32 to vector<16xf32>
      %select_n3A_177 = arith.select %gt3A, %while3A_168#2, %broadcast_in_dim3A_176 : vector<16xi1>, vector<16xf32>
      %jit3A_178 = arith.constant 0xFF800000 : f32
      %broadcast_in_dim3A_179 = vector.broadcast %jit3A_178 : f32 to vector<16xf32>
      %select_n3A_180 = arith.select %gt3A, %while3A_168#3, %broadcast_in_dim3A_179 : vector<16xi1>, vector<16xf32>
      %swap3A = arith.index_cast %mul3A_100 : i32 to index
      %swap3A_181 = tpu.vector_load %arg19[%swap3A] {strides = array<i32>} : memref<1568xf32, #tpu.memory_space<vmem>>, vector<16xf32>,
      tpu.vector_store %arg19[%swap3A], %select_n3A_171 {strides = array<i32>} : memref<1568xf32, #tpu.memory_space<vmem>>, vector<16xf32>,
      %swap3A_182 = arith.index_cast %mul3A_100 : i32 to index
      %swap3A_183 = tpu.vector_load %arg20[%swap3A_182] {strides = array<i32>} : memref<1568xf32, #tpu.memory_space<vmem>>, vector<16xf32>,
      tpu.vector_store %arg20[%swap3A_182], %select_n3A_174 {strides = array<i32>} : memref<1568xf32, #tpu.memory_space<vmem>>, vector<16xf32>,
      %swap3A_184 = arith.index_cast %mul3A_100 : i32 to index
      %swap3A_185 = tpu.vector_load %arg21[%swap3A_184] {strides = array<i32>} : memref<1568xf32, #tpu.memory_space<vmem>>, vector<16xf32>,
      tpu.vector_store %arg21[%swap3A_184], %select_n3A_177 {strides = array<i32>} : memref<1568xf32, #tpu.memory_space<vmem>>, vector<16xf32>,
      %swap3A_186 = arith.index_cast %mul3A_100 : i32 to index
      %swap3A_187 = tpu.vector_load %arg22[%swap3A_186] {strides = array<i32>} : memref<1568xf32, #tpu.memory_space<vmem>>, vector<16xf32>,
      tpu.vector_store %arg22[%swap3A_186], %select_n3A_180 {strides = array<i32>} : memref<1568xf32, #tpu.memory_space<vmem>>, vector<16xf32>,
    }
    %scan3A_83 = arith.constant 98 : i32
    %ge3A_84 = arith.constant 2 : i32
    %ge3A_85 = arith.cmpi sge, %max3A_58, %ge3A_84 : i32
    %convert_element_type3A_86 = arith.extui %ge3A_85 : i1 to i32
    %cond3A_87 = arith.constant 0 : i32
    %cond3A_88 = arith.cmpi ne, %convert_element_type3A_86, %cond3A_87 : i32
    scf.if %cond3A_88 {
      %dma_wait3A_98 = arith.constant 0 : i32
      %dma_wait3A_99 = tpu.memref_slice %arg4[%dma_wait3A_98] : memref<500000xf32, #tpu.memory_space<hbm>> -> memref<500000xf32, #tpu.memory_space<hbm>>
      tpu.wait_indirect_dma semaphore(%arg25 : memref<!tpu.dma_semaphore, #tpu.memory_space<semaphore_mem>>) src(%dma_wait3A_99 : memref<500000xf32, #tpu.memory_space<hbm>>) dst(%arg17 : memref<8192xf32, #tpu.memory_space<vmem>>)
      %dma_wait3A_100 = arith.constant 0 : i32
      %dma_wait3A_101 = tpu.memref_slice %arg5[%dma_wait3A_100] : memref<500000xf32, #tpu.memory_space<hbm>> -> memref<500000xf32, #tpu.memory_space<hbm>>
      tpu.wait_indirect_dma semaphore(%arg26 : memref<!tpu.dma_semaphore, #tpu.memory_space<semaphore_mem>>) src(%dma_wait3A_101 : memref<500000xf32, #tpu.memory_space<hbm>>) dst(%arg18 : memref<8192xf32, #tpu.memory_space<vmem>>)
      %add3A_102 = arith.constant 8192 : i32
      %add3A_103 = arith.addi %mul3A_28, %add3A_102 : i32
      %scan3A_104 = arith.constant 0 : i32
      %scan3A_105 = arith.constant 0 : i32
      %scan3A_106 = arith.constant 98 : i32
      %scan3A_107 = arith.addi %scan3A_105, %scan3A_106 : i32
      %scan3A_108 = arith.constant 1 : i32
      scf.for %scan3A_110 = %scan3A_105 to %scan3A_107 step %scan3A_108  : i32 {
        %mul3A_111 = arith.constant 16 : i32
        %mul3A_112 = arith.muli %scan3A_110, %mul3A_111 : i32
        %add3A_113 = vector.broadcast %mul3A_112 : i32 to vector<16xi32>
        %add3A_114 = arith.addi %iota3A, %add3A_113 : vector<16xi32>
        %gather3A = tpu.vector_load_idx %arg10[%add3A_114] : memref<1808xi32, #tpu.memory_space<vmem>>[vector<16xi32>], vector<16xi32>,
        %add3A_115 = vector.broadcast %mul3A_112 : i32 to vector<16xi32>
        %add3A_116 = arith.addi %iota3A, %add3A_115 : vector<16xi32>
        %add3A_117 = arith.constant 1 : i32
        %add3A_118 = vector.broadcast %add3A_117 : i32 to vector<16xi32>
        %add3A_119 = arith.addi %add3A_116, %add3A_118 : vector<16xi32>
        %gather3A_120 = tpu.vector_load_idx %arg10[%add3A_119] : memref<1808xi32, #tpu.memory_space<vmem>>[vector<16xi32>], vector<16xi32>,
        %sub3A_121 = vector.broadcast %add3A_103 : i32 to vector<16xi32>
        %sub3A_122 = arith.subi %gather3A, %sub3A_121 : vector<16xi32>
        %sub3A_123 = vector.broadcast %add3A_103 : i32 to vector<16xi32>
        %sub3A_124 = arith.subi %gather3A_120, %sub3A_123 : vector<16xi32>
        %max3A_125 = arith.constant 0 : i32
        %max3A_126 = vector.broadcast %max3A_125 : i32 to vector<16xi32>
        %max3A_127 = arith.maxsi %sub3A_122, %max3A_126 : vector<16xi32>
        %min3A = arith.constant 8192 : i32
        %min3A_128 = vector.broadcast %min3A : i32 to vector<16xi32>
        %min3A_129 = arith.minsi %sub3A_124, %min3A_128 : vector<16xi32>
        %sub3A_130 = arith.constant 1 : i32
        %sub3A_131 = vector.broadcast %sub3A_130 : i32 to vector<16xi32>
        %sub3A_132 = arith.subi %min3A_129, %sub3A_131 : vector<16xi32>
        %max3A_133 = arith.constant 0 : i32
        %max3A_134 = vector.broadcast %max3A_133 : i32 to vector<16xi32>
        %max3A_135 = arith.maxsi %sub3A_132, %max3A_134 : vector<16xi32>
        %mul3A_136 = arith.constant 0 : i32
        %mul3A_137 = vector.broadcast %mul3A_136 : i32 to vector<16xi32>
        %mul3A_138 = arith.muli %iota3A, %mul3A_137 : vector<16xi32>
        %add3A_139 = vector.broadcast %scan3A_110 : i32 to vector<16xi32>
        %add3A_140 = arith.addi %mul3A_138, %add3A_139 : vector<16xi32>
        %gather3A_141 = tpu.vector_load_idx %arg12[%add3A_140] : memref<112xi32, #tpu.memory_space<vmem>>[vector<16xi32>], vector<16xi32>,
        %slice3A_142 = vector.extract_strided_slice %gather3A_141 {offsets = [0], sizes = [1], strides = [1]} : vector<16xi32> to vector<1xi32>
        %squeeze3A_143 = vector.extract %slice3A_142[0] : i32 from vector<1xi32>
        %add3A_144 = arith.constant 3 : i32
        %add3A_145 = arith.addi %squeeze3A_143, %add3A_144 : i32
        %jit3A_146 = arith.constant 4 : i32
        %div3A_147 = arith.divsi %add3A_145, %jit3A_146 : i32
        %sign3A_148 = arith.constant 0 : i32
        %sign3A_149 = arith.cmpi sgt, %add3A_145, %sign3A_148 : i32
        %sign3A_150 = arith.extui %sign3A_149 : i1 to i32
        %sign3A_151 = arith.constant 0 : i32
        %sign3A_152 = arith.cmpi slt, %add3A_145, %sign3A_151 : i32
        %sign3A_153 = arith.extui %sign3A_152 : i1 to i32
        %sign3A_154 = arith.subi %sign3A_150, %sign3A_153 : i32
        %sign3A_155 = arith.constant 0 : i32
        %sign3A_156 = arith.cmpi sgt, %jit3A_146, %sign3A_155 : i32
        %sign3A_157 = arith.extui %sign3A_156 : i1 to i32
        %sign3A_158 = arith.constant 0 : i32
        %sign3A_159 = arith.cmpi slt, %jit3A_146, %sign3A_158 : i32
        %sign3A_160 = arith.extui %sign3A_159 : i1 to i32
        %sign3A_161 = arith.subi %sign3A_157, %sign3A_160 : i32
        %ne3A_162 = arith.cmpi ne, %sign3A_154, %sign3A_161 : i32
        %rem3A_163 = arith.remsi %add3A_145, %jit3A_146 : i32
        %ne3A_164 = arith.constant 0 : i32
        %ne3A_165 = arith.cmpi ne, %rem3A_163, %ne3A_164 : i32
        %and3A_166 = arith.andi %ne3A_162, %ne3A_165 : i1
        %sub3A_167 = arith.constant 1 : i32
        %sub3A_168 = arith.subi %div3A_147, %sub3A_167 : i32
        %select_n3A_169 = arith.select %and3A_166, %sub3A_168, %div3A_147 : i32
        %while3A_170 = arith.constant 0 : i32
        %while3A_171 = arith.subi %select_n3A_169, %while3A_170 : i32
        %while3A_172 = arith.addi %while3A_170, %while3A_171 : i32
        %while3A_173 = arith.constant 1 : i32
        %while3A_174 = arith.divsi %while3A_171, %while3A_173 : i32
        %while3A_175 = arith.muli %while3A_174, %while3A_173 : i32
        %while3A_176 = arith.addi %while3A_170, %while3A_175 : i32
        %while3A_177 = arith.constant 1 : i32
        %while3A_178:4 = scf.for %while3A_212 = %while3A_170 to %while3A_176 step %while3A_177 iter_args(%while3A_213 = %broadcast_in_dim3A_3, %while3A_214 = %broadcast_in_dim3A_5, %while3A_215 = %broadcast_in_dim3A_3, %while3A_216 = %broadcast_in_dim3A_5) -> (vector<16xf32>, vector<16xf32>, vector<16xf32>, vector<16xf32>)  : i32 {
          %mul3A_217 = arith.constant 4 : i32
          %mul3A_218 = arith.muli %while3A_212, %mul3A_217 : i32
          %add3A_219 = arith.constant 0 : i32
          %add3A_220 = arith.addi %mul3A_218, %add3A_219 : i32
          %add3A_221 = vector.broadcast %add3A_220 : i32 to vector<16xi32>
          %add3A_222 = arith.addi %max3A_127, %add3A_221 : vector<16xi32>
          %min3A_223 = arith.minsi %add3A_222, %max3A_135 : vector<16xi32>
          %gather3A_224 = tpu.vector_load_idx %arg17[%min3A_223] : memref<8192xf32, #tpu.memory_space<vmem>>[vector<16xi32>], vector<16xf32>,
          %gather3A_225 = tpu.vector_load_idx %arg18[%min3A_223] : memref<8192xf32, #tpu.memory_space<vmem>>[vector<16xi32>], vector<16xf32>,
          %min3A_226 = arith.minimumf %while3A_213, %gather3A_224 : vector<16xf32>
          %max3A_227 = arith.maximumf %while3A_214, %gather3A_224 : vector<16xf32>
          %min3A_228 = arith.minimumf %while3A_215, %gather3A_225 : vector<16xf32>
          %max3A_229 = arith.maximumf %while3A_216, %gather3A_225 : vector<16xf32>
          %mul3A_230 = arith.constant 4 : i32
          %mul3A_231 = arith.muli %while3A_212, %mul3A_230 : i32
          %add3A_232 = arith.constant 1 : i32
          %add3A_233 = arith.addi %mul3A_231, %add3A_232 : i32
          %add3A_234 = vector.broadcast %add3A_233 : i32 to vector<16xi32>
          %add3A_235 = arith.addi %max3A_127, %add3A_234 : vector<16xi32>
          %min3A_236 = arith.minsi %add3A_235, %max3A_135 : vector<16xi32>
          %gather3A_237 = tpu.vector_load_idx %arg17[%min3A_236] : memref<8192xf32, #tpu.memory_space<vmem>>[vector<16xi32>], vector<16xf32>,
          %gather3A_238 = tpu.vector_load_idx %arg18[%min3A_236] : memref<8192xf32, #tpu.memory_space<vmem>>[vector<16xi32>], vector<16xf32>,
          %min3A_239 = arith.minimumf %min3A_226, %gather3A_237 : vector<16xf32>
          %max3A_240 = arith.maximumf %max3A_227, %gather3A_237 : vector<16xf32>
          %min3A_241 = arith.minimumf %min3A_228, %gather3A_238 : vector<16xf32>
          %max3A_242 = arith.maximumf %max3A_229, %gather3A_238 : vector<16xf32>
          %mul3A_243 = arith.constant 4 : i32
          %mul3A_244 = arith.muli %while3A_212, %mul3A_243 : i32
          %add3A_245 = arith.constant 2 : i32
          %add3A_246 = arith.addi %mul3A_244, %add3A_245 : i32
          %add3A_247 = vector.broadcast %add3A_246 : i32 to vector<16xi32>
          %add3A_248 = arith.addi %max3A_127, %add3A_247 : vector<16xi32>
          %min3A_249 = arith.minsi %add3A_248, %max3A_135 : vector<16xi32>
          %gather3A_250 = tpu.vector_load_idx %arg17[%min3A_249] : memref<8192xf32, #tpu.memory_space<vmem>>[vector<16xi32>], vector<16xf32>,
          %gather3A_251 = tpu.vector_load_idx %arg18[%min3A_249] : memref<8192xf32, #tpu.memory_space<vmem>>[vector<16xi32>], vector<16xf32>,
          %min3A_252 = arith.minimumf %min3A_239, %gather3A_250 : vector<16xf32>
          %max3A_253 = arith.maximumf %max3A_240, %gather3A_250 : vector<16xf32>
          %min3A_254 = arith.minimumf %min3A_241, %gather3A_251 : vector<16xf32>
          %max3A_255 = arith.maximumf %max3A_242, %gather3A_251 : vector<16xf32>
          %mul3A_256 = arith.constant 4 : i32
          %mul3A_257 = arith.muli %while3A_212, %mul3A_256 : i32
          %add3A_258 = arith.constant 3 : i32
          %add3A_259 = arith.addi %mul3A_257, %add3A_258 : i32
          %add3A_260 = vector.broadcast %add3A_259 : i32 to vector<16xi32>
          %add3A_261 = arith.addi %max3A_127, %add3A_260 : vector<16xi32>
          %min3A_262 = arith.minsi %add3A_261, %max3A_135 : vector<16xi32>
          %gather3A_263 = tpu.vector_load_idx %arg17[%min3A_262] : memref<8192xf32, #tpu.memory_space<vmem>>[vector<16xi32>], vector<16xf32>,
          %gather3A_264 = tpu.vector_load_idx %arg18[%min3A_262] : memref<8192xf32, #tpu.memory_space<vmem>>[vector<16xi32>], vector<16xf32>,
          %min3A_265 = arith.minimumf %min3A_252, %gather3A_263 : vector<16xf32>
          %max3A_266 = arith.maximumf %max3A_253, %gather3A_263 : vector<16xf32>
          %min3A_267 = arith.minimumf %min3A_254, %gather3A_264 : vector<16xf32>
          %max3A_268 = arith.maximumf %max3A_255, %gather3A_264 : vector<16xf32>
          scf.yield %min3A_265, %max3A_266, %min3A_267, %max3A_268 : vector<16xf32>, vector<16xf32>, vector<16xf32>, vector<16xf32>
        }
        %while3A_179 = arith.constant 1 : i32
        %while3A_180:4 = scf.for %while3A_212 = %while3A_176 to %while3A_172 step %while3A_179 iter_args(%while3A_213 = %while3A_178#0, %while3A_214 = %while3A_178#1, %while3A_215 = %while3A_178#2, %while3A_216 = %while3A_178#3) -> (vector<16xf32>, vector<16xf32>, vector<16xf32>, vector<16xf32>)  : i32 {
          %mul3A_217 = arith.constant 4 : i32
          %mul3A_218 = arith.muli %while3A_212, %mul3A_217 : i32
          %add3A_219 = arith.constant 0 : i32
          %add3A_220 = arith.addi %mul3A_218, %add3A_219 : i32
          %add3A_221 = vector.broadcast %add3A_220 : i32 to vector<16xi32>
          %add3A_222 = arith.addi %max3A_127, %add3A_221 : vector<16xi32>
          %min3A_223 = arith.minsi %add3A_222, %max3A_135 : vector<16xi32>
          %gather3A_224 = tpu.vector_load_idx %arg17[%min3A_223] : memref<8192xf32, #tpu.memory_space<vmem>>[vector<16xi32>], vector<16xf32>,
          %gather3A_225 = tpu.vector_load_idx %arg18[%min3A_223] : memref<8192xf32, #tpu.memory_space<vmem>>[vector<16xi32>], vector<16xf32>,
          %min3A_226 = arith.minimumf %while3A_213, %gather3A_224 : vector<16xf32>
          %max3A_227 = arith.maximumf %while3A_214, %gather3A_224 : vector<16xf32>
          %min3A_228 = arith.minimumf %while3A_215, %gather3A_225 : vector<16xf32>
          %max3A_229 = arith.maximumf %while3A_216, %gather3A_225 : vector<16xf32>
          %mul3A_230 = arith.constant 4 : i32
          %mul3A_231 = arith.muli %while3A_212, %mul3A_230 : i32
          %add3A_232 = arith.constant 1 : i32
          %add3A_233 = arith.addi %mul3A_231, %add3A_232 : i32
          %add3A_234 = vector.broadcast %add3A_233 : i32 to vector<16xi32>
          %add3A_235 = arith.addi %max3A_127, %add3A_234 : vector<16xi32>
          %min3A_236 = arith.minsi %add3A_235, %max3A_135 : vector<16xi32>
          %gather3A_237 = tpu.vector_load_idx %arg17[%min3A_236] : memref<8192xf32, #tpu.memory_space<vmem>>[vector<16xi32>], vector<16xf32>,
          %gather3A_238 = tpu.vector_load_idx %arg18[%min3A_236] : memref<8192xf32, #tpu.memory_space<vmem>>[vector<16xi32>], vector<16xf32>,
          %min3A_239 = arith.minimumf %min3A_226, %gather3A_237 : vector<16xf32>
          %max3A_240 = arith.maximumf %max3A_227, %gather3A_237 : vector<16xf32>
          %min3A_241 = arith.minimumf %min3A_228, %gather3A_238 : vector<16xf32>
          %max3A_242 = arith.maximumf %max3A_229, %gather3A_238 : vector<16xf32>
          %mul3A_243 = arith.constant 4 : i32
          %mul3A_244 = arith.muli %while3A_212, %mul3A_243 : i32
          %add3A_245 = arith.constant 2 : i32
          %add3A_246 = arith.addi %mul3A_244, %add3A_245 : i32
          %add3A_247 = vector.broadcast %add3A_246 : i32 to vector<16xi32>
          %add3A_248 = arith.addi %max3A_127, %add3A_247 : vector<16xi32>
          %min3A_249 = arith.minsi %add3A_248, %max3A_135 : vector<16xi32>
          %gather3A_250 = tpu.vector_load_idx %arg17[%min3A_249] : memref<8192xf32, #tpu.memory_space<vmem>>[vector<16xi32>], vector<16xf32>,
          %gather3A_251 = tpu.vector_load_idx %arg18[%min3A_249] : memref<8192xf32, #tpu.memory_space<vmem>>[vector<16xi32>], vector<16xf32>,
          %min3A_252 = arith.minimumf %min3A_239, %gather3A_250 : vector<16xf32>
          %max3A_253 = arith.maximumf %max3A_240, %gather3A_250 : vector<16xf32>
          %min3A_254 = arith.minimumf %min3A_241, %gather3A_251 : vector<16xf32>
          %max3A_255 = arith.maximumf %max3A_242, %gather3A_251 : vector<16xf32>
          %mul3A_256 = arith.constant 4 : i32
          %mul3A_257 = arith.muli %while3A_212, %mul3A_256 : i32
          %add3A_258 = arith.constant 3 : i32
          %add3A_259 = arith.addi %mul3A_257, %add3A_258 : i32
          %add3A_260 = vector.broadcast %add3A_259 : i32 to vector<16xi32>
          %add3A_261 = arith.addi %max3A_127, %add3A_260 : vector<16xi32>
          %min3A_262 = arith.minsi %add3A_261, %max3A_135 : vector<16xi32>
          %gather3A_263 = tpu.vector_load_idx %arg17[%min3A_262] : memref<8192xf32, #tpu.memory_space<vmem>>[vector<16xi32>], vector<16xf32>,
          %gather3A_264 = tpu.vector_load_idx %arg18[%min3A_262] : memref<8192xf32, #tpu.memory_space<vmem>>[vector<16xi32>], vector<16xf32>,
          %min3A_265 = arith.minimumf %min3A_252, %gather3A_263 : vector<16xf32>
          %max3A_266 = arith.maximumf %max3A_253, %gather3A_263 : vector<16xf32>
          %min3A_267 = arith.minimumf %min3A_254, %gather3A_264 : vector<16xf32>
          %max3A_268 = arith.maximumf %max3A_255, %gather3A_264 : vector<16xf32>
          scf.yield %min3A_265, %max3A_266, %min3A_267, %max3A_268 : vector<16xf32>, vector<16xf32>, vector<16xf32>, vector<16xf32>
        }
        %gt3A = arith.cmpi sgt, %min3A_129, %max3A_127 : vector<16xi32>
        %jit3A_181 = arith.constant 0x7F800000 : f32
        %broadcast_in_dim3A_182 = vector.broadcast %jit3A_181 : f32 to vector<16xf32>
        %select_n3A_183 = arith.select %gt3A, %while3A_180#0, %broadcast_in_dim3A_182 : vector<16xi1>, vector<16xf32>
        %jit3A_184 = arith.constant 0xFF800000 : f32
        %broadcast_in_dim3A_185 = vector.broadcast %jit3A_184 : f32 to vector<16xf32>
        %select_n3A_186 = arith.select %gt3A, %while3A_180#1, %broadcast_in_dim3A_185 : vector<16xi1>, vector<16xf32>
        %jit3A_187 = arith.constant 0x7F800000 : f32
        %broadcast_in_dim3A_188 = vector.broadcast %jit3A_187 : f32 to vector<16xf32>
        %select_n3A_189 = arith.select %gt3A, %while3A_180#2, %broadcast_in_dim3A_188 : vector<16xi1>, vector<16xf32>
        %jit3A_190 = arith.constant 0xFF800000 : f32
        %broadcast_in_dim3A_191 = vector.broadcast %jit3A_190 : f32 to vector<16xf32>
        %select_n3A_192 = arith.select %gt3A, %while3A_180#3, %broadcast_in_dim3A_191 : vector<16xi1>, vector<16xf32>
        %get3A_193 = arith.index_cast %mul3A_112 : i32 to index
        %get3A_194 = tpu.vector_load %arg19[%get3A_193] {strides = array<i32>} : memref<1568xf32, #tpu.memory_space<vmem>>, vector<16xf32>,
        %min3A_195 = arith.minimumf %get3A_194, %select_n3A_183 : vector<16xf32>
        %swap3A = arith.index_cast %mul3A_112 : i32 to index
        %swap3A_196 = tpu.vector_load %arg19[%swap3A] {strides = array<i32>} : memref<1568xf32, #tpu.memory_space<vmem>>, vector<16xf32>,
        tpu.vector_store %arg19[%swap3A], %min3A_195 {strides = array<i32>} : memref<1568xf32, #tpu.memory_space<vmem>>, vector<16xf32>,
        %get3A_197 = arith.index_cast %mul3A_112 : i32 to index
        %get3A_198 = tpu.vector_load %arg20[%get3A_197] {strides = array<i32>} : memref<1568xf32, #tpu.memory_space<vmem>>, vector<16xf32>,
        %max3A_199 = arith.maximumf %get3A_198, %select_n3A_186 : vector<16xf32>
        %swap3A_200 = arith.index_cast %mul3A_112 : i32 to index
        %swap3A_201 = tpu.vector_load %arg20[%swap3A_200] {strides = array<i32>} : memref<1568xf32, #tpu.memory_space<vmem>>, vector<16xf32>,
        tpu.vector_store %arg20[%swap3A_200], %max3A_199 {strides = array<i32>} : memref<1568xf32, #tpu.memory_space<vmem>>, vector<16xf32>,
        %get3A_202 = arith.index_cast %mul3A_112 : i32 to index
        %get3A_203 = tpu.vector_load %arg21[%get3A_202] {strides = array<i32>} : memref<1568xf32, #tpu.memory_space<vmem>>, vector<16xf32>,
        %min3A_204 = arith.minimumf %get3A_203, %select_n3A_189 : vector<16xf32>
        %swap3A_205 = arith.index_cast %mul3A_112 : i32 to index
        %swap3A_206 = tpu.vector_load %arg21[%swap3A_205] {strides = array<i32>} : memref<1568xf32, #tpu.memory_space<vmem>>, vector<16xf32>,
        tpu.vector_store %arg21[%swap3A_205], %min3A_204 {strides = array<i32>} : memref<1568xf32, #tpu.memory_space<vmem>>, vector<16xf32>,
        %get3A_207 = arith.index_cast %mul3A_112 : i32 to index
        %get3A_208 = tpu.vector_load %arg22[%get3A_207] {strides = array<i32>} : memref<1568xf32, #tpu.memory_space<vmem>>, vector<16xf32>,
        %max3A_209 = arith.maximumf %get3A_208, %select_n3A_192 : vector<16xf32>
        %swap3A_210 = arith.index_cast %mul3A_112 : i32 to index
        %swap3A_211 = tpu.vector_load %arg22[%swap3A_210] {strides = array<i32>} : memref<1568xf32, #tpu.memory_space<vmem>>, vector<16xf32>,
        tpu.vector_store %arg22[%swap3A_210], %max3A_209 {strides = array<i32>} : memref<1568xf32, #tpu.memory_space<vmem>>, vector<16xf32>,
      }
      %scan3A_109 = arith.constant 98 : i32
    } else {
    }
    %while3A = arith.constant 0 : i32
    %while3A_89 = arith.constant 2 : i32
    %while3A_90 = arith.subi %max3A_58, %while3A_89 : i32
    %while3A_91 = arith.addi %while3A_89, %while3A_90 : i32
    %while3A_92 = arith.constant 1 : i32
    %while3A_93 = arith.divsi %while3A_90, %while3A_92 : i32
    %while3A_94 = arith.muli %while3A_93, %while3A_92 : i32
    %while3A_95 = arith.addi %while3A_89, %while3A_94 : i32
    %while3A_96 = arith.constant 1 : i32
    scf.for %while3A_98 = %while3A_89 to %while3A_95 step %while3A_96  : i32 {
      %mul3A_99 = arith.constant 8192 : i32
      %mul3A_100 = arith.muli %while3A_98, %mul3A_99 : i32
      %add3A_101 = arith.addi %mul3A_28, %mul3A_100 : i32
      "tpu.region"() ({
        %run_scoped3A = tpu.sem_alloc : memref<!tpu.dma_semaphore, #tpu.memory_space<semaphore_mem>>
        %dma_start3A_116 = tpu.memref_slice %arg3[%add3A_101] : memref<258200xi32, #tpu.memory_space<hbm>> -> memref<8192xi32, #tpu.memory_space<hbm>>
        %dma_start3A_117 = tpu.memref_slice %arg3[%add3A_101] : memref<258200xi32, #tpu.memory_space<hbm>> -> memref<8192xi32, #tpu.memory_space<hbm>>
        tpu.enqueue_dma source(%dma_start3A_117 : memref<8192xi32, #tpu.memory_space<hbm>>) target(%arg13 : memref<8192xi32, #tpu.memory_space<vmem>>) target_semaphore(%run_scoped3A : memref<!tpu.dma_semaphore, #tpu.memory_space<semaphore_mem>>)
        %dma_wait3A_118 = tpu.memref_slice %arg3[%add3A_101] : memref<258200xi32, #tpu.memory_space<hbm>> -> memref<8192xi32, #tpu.memory_space<hbm>>
        %dma_wait3A_119 = tpu.memref_slice %arg3[%add3A_101] : memref<258200xi32, #tpu.memory_space<hbm>> -> memref<8192xi32, #tpu.memory_space<hbm>>
        tpu.wait_dma2 semaphore(%run_scoped3A : memref<!tpu.dma_semaphore, #tpu.memory_space<semaphore_mem>>) src(%dma_wait3A_119 : memref<8192xi32, #tpu.memory_space<hbm>>) dst(%arg13 : memref<8192xi32, #tpu.memory_space<vmem>>)
        tpu.yield
      }) : () -> ()
      %dma_start3A_102 = arith.constant 0 : i32
      %dma_start3A_103 = tpu.memref_slice %arg4[%dma_start3A_102] : memref<500000xf32, #tpu.memory_space<hbm>> -> memref<500000xf32, #tpu.memory_space<hbm>>
      tpu.enqueue_indirect_dma source(%dma_start3A_103 : memref<500000xf32, #tpu.memory_space<hbm>>) target(%arg14 : memref<8192xf32, #tpu.memory_space<vmem>>) offsets(%arg13 : memref<8192xi32, #tpu.memory_space<vmem>>) semaphore(%arg23 : memref<!tpu.dma_semaphore, #tpu.memory_space<semaphore_mem>>)
      %dma_start3A_104 = arith.constant 0 : i32
      %dma_start3A_105 = tpu.memref_slice %arg5[%dma_start3A_104] : memref<500000xf32, #tpu.memory_space<hbm>> -> memref<500000xf32, #tpu.memory_space<hbm>>
      tpu.enqueue_indirect_dma source(%dma_start3A_105 : memref<500000xf32, #tpu.memory_space<hbm>>) target(%arg15 : memref<8192xf32, #tpu.memory_space<vmem>>) offsets(%arg13 : memref<8192xi32, #tpu.memory_space<vmem>>) semaphore(%arg24 : memref<!tpu.dma_semaphore, #tpu.memory_space<semaphore_mem>>)
      %dma_wait3A_106 = arith.constant 0 : i32
      %dma_wait3A_107 = tpu.memref_slice %arg4[%dma_wait3A_106] : memref<500000xf32, #tpu.memory_space<hbm>> -> memref<500000xf32, #tpu.memory_space<hbm>>
      tpu.wait_indirect_dma semaphore(%arg23 : memref<!tpu.dma_semaphore, #tpu.memory_space<semaphore_mem>>) src(%dma_wait3A_107 : memref<500000xf32, #tpu.memory_space<hbm>>) dst(%arg14 : memref<8192xf32, #tpu.memory_space<vmem>>)
      %dma_wait3A_108 = arith.constant 0 : i32
      %dma_wait3A_109 = tpu.memref_slice %arg5[%dma_wait3A_108] : memref<500000xf32, #tpu.memory_space<hbm>> -> memref<500000xf32, #tpu.memory_space<hbm>>
      tpu.wait_indirect_dma semaphore(%arg24 : memref<!tpu.dma_semaphore, #tpu.memory_space<semaphore_mem>>) src(%dma_wait3A_109 : memref<500000xf32, #tpu.memory_space<hbm>>) dst(%arg15 : memref<8192xf32, #tpu.memory_space<vmem>>)
      %scan3A_110 = arith.constant 0 : i32
      %scan3A_111 = arith.constant 0 : i32
      %scan3A_112 = arith.constant 98 : i32
      %scan3A_113 = arith.addi %scan3A_111, %scan3A_112 : i32
      %scan3A_114 = arith.constant 1 : i32
      scf.for %scan3A_116 = %scan3A_111 to %scan3A_113 step %scan3A_114  : i32 {
        %mul3A_117 = arith.constant 16 : i32
        %mul3A_118 = arith.muli %scan3A_116, %mul3A_117 : i32
        %add3A_119 = vector.broadcast %mul3A_118 : i32 to vector<16xi32>
        %add3A_120 = arith.addi %iota3A, %add3A_119 : vector<16xi32>
        %gather3A = tpu.vector_load_idx %arg10[%add3A_120] : memref<1808xi32, #tpu.memory_space<vmem>>[vector<16xi32>], vector<16xi32>,
        %add3A_121 = vector.broadcast %mul3A_118 : i32 to vector<16xi32>
        %add3A_122 = arith.addi %iota3A, %add3A_121 : vector<16xi32>
        %add3A_123 = arith.constant 1 : i32
        %add3A_124 = vector.broadcast %add3A_123 : i32 to vector<16xi32>
        %add3A_125 = arith.addi %add3A_122, %add3A_124 : vector<16xi32>
        %gather3A_126 = tpu.vector_load_idx %arg10[%add3A_125] : memref<1808xi32, #tpu.memory_space<vmem>>[vector<16xi32>], vector<16xi32>,
        %sub3A_127 = vector.broadcast %add3A_101 : i32 to vector<16xi32>
        %sub3A_128 = arith.subi %gather3A, %sub3A_127 : vector<16xi32>
        %sub3A_129 = vector.broadcast %add3A_101 : i32 to vector<16xi32>
        %sub3A_130 = arith.subi %gather3A_126, %sub3A_129 : vector<16xi32>
        %max3A_131 = arith.constant 0 : i32
        %max3A_132 = vector.broadcast %max3A_131 : i32 to vector<16xi32>
        %max3A_133 = arith.maxsi %sub3A_128, %max3A_132 : vector<16xi32>
        %min3A = arith.constant 8192 : i32
        %min3A_134 = vector.broadcast %min3A : i32 to vector<16xi32>
        %min3A_135 = arith.minsi %sub3A_130, %min3A_134 : vector<16xi32>
        %sub3A_136 = arith.constant 1 : i32
        %sub3A_137 = vector.broadcast %sub3A_136 : i32 to vector<16xi32>
        %sub3A_138 = arith.subi %min3A_135, %sub3A_137 : vector<16xi32>
        %max3A_139 = arith.constant 0 : i32
        %max3A_140 = vector.broadcast %max3A_139 : i32 to vector<16xi32>
        %max3A_141 = arith.maxsi %sub3A_138, %max3A_140 : vector<16xi32>
        %mul3A_142 = arith.constant 0 : i32
        %mul3A_143 = vector.broadcast %mul3A_142 : i32 to vector<16xi32>
        %mul3A_144 = arith.muli %iota3A, %mul3A_143 : vector<16xi32>
        %add3A_145 = vector.broadcast %scan3A_116 : i32 to vector<16xi32>
        %add3A_146 = arith.addi %mul3A_144, %add3A_145 : vector<16xi32>
        %gather3A_147 = tpu.vector_load_idx %arg12[%add3A_146] : memref<112xi32, #tpu.memory_space<vmem>>[vector<16xi32>], vector<16xi32>,
        %slice3A_148 = vector.extract_strided_slice %gather3A_147 {offsets = [0], sizes = [1], strides = [1]} : vector<16xi32> to vector<1xi32>
        %squeeze3A_149 = vector.extract %slice3A_148[0] : i32 from vector<1xi32>
        %add3A_150 = arith.constant 3 : i32
        %add3A_151 = arith.addi %squeeze3A_149, %add3A_150 : i32
        %jit3A_152 = arith.constant 4 : i32
        %div3A_153 = arith.divsi %add3A_151, %jit3A_152 : i32
        %sign3A_154 = arith.constant 0 : i32
        %sign3A_155 = arith.cmpi sgt, %add3A_151, %sign3A_154 : i32
        %sign3A_156 = arith.extui %sign3A_155 : i1 to i32
        %sign3A_157 = arith.constant 0 : i32
        %sign3A_158 = arith.cmpi slt, %add3A_151, %sign3A_157 : i32
        %sign3A_159 = arith.extui %sign3A_158 : i1 to i32
        %sign3A_160 = arith.subi %sign3A_156, %sign3A_159 : i32
        %sign3A_161 = arith.constant 0 : i32
        %sign3A_162 = arith.cmpi sgt, %jit3A_152, %sign3A_161 : i32
        %sign3A_163 = arith.extui %sign3A_162 : i1 to i32
        %sign3A_164 = arith.constant 0 : i32
        %sign3A_165 = arith.cmpi slt, %jit3A_152, %sign3A_164 : i32
        %sign3A_166 = arith.extui %sign3A_165 : i1 to i32
        %sign3A_167 = arith.subi %sign3A_163, %sign3A_166 : i32
        %ne3A_168 = arith.cmpi ne, %sign3A_160, %sign3A_167 : i32
        %rem3A_169 = arith.remsi %add3A_151, %jit3A_152 : i32
        %ne3A_170 = arith.constant 0 : i32
        %ne3A_171 = arith.cmpi ne, %rem3A_169, %ne3A_170 : i32
        %and3A_172 = arith.andi %ne3A_168, %ne3A_171 : i1
        %sub3A_173 = arith.constant 1 : i32
        %sub3A_174 = arith.subi %div3A_153, %sub3A_173 : i32
        %select_n3A_175 = arith.select %and3A_172, %sub3A_174, %div3A_153 : i32
        %while3A_176 = arith.constant 0 : i32
        %while3A_177 = arith.subi %select_n3A_175, %while3A_176 : i32
        %while3A_178 = arith.addi %while3A_176, %while3A_177 : i32
        %while3A_179 = arith.constant 1 : i32
        %while3A_180 = arith.divsi %while3A_177, %while3A_179 : i32
        %while3A_181 = arith.muli %while3A_180, %while3A_179 : i32
        %while3A_182 = arith.addi %while3A_176, %while3A_181 : i32
        %while3A_183 = arith.constant 1 : i32
        %while3A_184:4 = scf.for %while3A_218 = %while3A_176 to %while3A_182 step %while3A_183 iter_args(%while3A_219 = %broadcast_in_dim3A_3, %while3A_220 = %broadcast_in_dim3A_5, %while3A_221 = %broadcast_in_dim3A_3, %while3A_222 = %broadcast_in_dim3A_5) -> (vector<16xf32>, vector<16xf32>, vector<16xf32>, vector<16xf32>)  : i32 {
          %mul3A_223 = arith.constant 4 : i32
          %mul3A_224 = arith.muli %while3A_218, %mul3A_223 : i32
          %add3A_225 = arith.constant 0 : i32
          %add3A_226 = arith.addi %mul3A_224, %add3A_225 : i32
          %add3A_227 = vector.broadcast %add3A_226 : i32 to vector<16xi32>
          %add3A_228 = arith.addi %max3A_133, %add3A_227 : vector<16xi32>
          %min3A_229 = arith.minsi %add3A_228, %max3A_141 : vector<16xi32>
          %gather3A_230 = tpu.vector_load_idx %arg14[%min3A_229] : memref<8192xf32, #tpu.memory_space<vmem>>[vector<16xi32>], vector<16xf32>,
          %gather3A_231 = tpu.vector_load_idx %arg15[%min3A_229] : memref<8192xf32, #tpu.memory_space<vmem>>[vector<16xi32>], vector<16xf32>,
          %min3A_232 = arith.minimumf %while3A_219, %gather3A_230 : vector<16xf32>
          %max3A_233 = arith.maximumf %while3A_220, %gather3A_230 : vector<16xf32>
          %min3A_234 = arith.minimumf %while3A_221, %gather3A_231 : vector<16xf32>
          %max3A_235 = arith.maximumf %while3A_222, %gather3A_231 : vector<16xf32>
          %mul3A_236 = arith.constant 4 : i32
          %mul3A_237 = arith.muli %while3A_218, %mul3A_236 : i32
          %add3A_238 = arith.constant 1 : i32
          %add3A_239 = arith.addi %mul3A_237, %add3A_238 : i32
          %add3A_240 = vector.broadcast %add3A_239 : i32 to vector<16xi32>
          %add3A_241 = arith.addi %max3A_133, %add3A_240 : vector<16xi32>
          %min3A_242 = arith.minsi %add3A_241, %max3A_141 : vector<16xi32>
          %gather3A_243 = tpu.vector_load_idx %arg14[%min3A_242] : memref<8192xf32, #tpu.memory_space<vmem>>[vector<16xi32>], vector<16xf32>,
          %gather3A_244 = tpu.vector_load_idx %arg15[%min3A_242] : memref<8192xf32, #tpu.memory_space<vmem>>[vector<16xi32>], vector<16xf32>,
          %min3A_245 = arith.minimumf %min3A_232, %gather3A_243 : vector<16xf32>
          %max3A_246 = arith.maximumf %max3A_233, %gather3A_243 : vector<16xf32>
          %min3A_247 = arith.minimumf %min3A_234, %gather3A_244 : vector<16xf32>
          %max3A_248 = arith.maximumf %max3A_235, %gather3A_244 : vector<16xf32>
          %mul3A_249 = arith.constant 4 : i32
          %mul3A_250 = arith.muli %while3A_218, %mul3A_249 : i32
          %add3A_251 = arith.constant 2 : i32
          %add3A_252 = arith.addi %mul3A_250, %add3A_251 : i32
          %add3A_253 = vector.broadcast %add3A_252 : i32 to vector<16xi32>
          %add3A_254 = arith.addi %max3A_133, %add3A_253 : vector<16xi32>
          %min3A_255 = arith.minsi %add3A_254, %max3A_141 : vector<16xi32>
          %gather3A_256 = tpu.vector_load_idx %arg14[%min3A_255] : memref<8192xf32, #tpu.memory_space<vmem>>[vector<16xi32>], vector<16xf32>,
          %gather3A_257 = tpu.vector_load_idx %arg15[%min3A_255] : memref<8192xf32, #tpu.memory_space<vmem>>[vector<16xi32>], vector<16xf32>,
          %min3A_258 = arith.minimumf %min3A_245, %gather3A_256 : vector<16xf32>
          %max3A_259 = arith.maximumf %max3A_246, %gather3A_256 : vector<16xf32>
          %min3A_260 = arith.minimumf %min3A_247, %gather3A_257 : vector<16xf32>
          %max3A_261 = arith.maximumf %max3A_248, %gather3A_257 : vector<16xf32>
          %mul3A_262 = arith.constant 4 : i32
          %mul3A_263 = arith.muli %while3A_218, %mul3A_262 : i32
          %add3A_264 = arith.constant 3 : i32
          %add3A_265 = arith.addi %mul3A_263, %add3A_264 : i32
          %add3A_266 = vector.broadcast %add3A_265 : i32 to vector<16xi32>
          %add3A_267 = arith.addi %max3A_133, %add3A_266 : vector<16xi32>
          %min3A_268 = arith.minsi %add3A_267, %max3A_141 : vector<16xi32>
          %gather3A_269 = tpu.vector_load_idx %arg14[%min3A_268] : memref<8192xf32, #tpu.memory_space<vmem>>[vector<16xi32>], vector<16xf32>,
          %gather3A_270 = tpu.vector_load_idx %arg15[%min3A_268] : memref<8192xf32, #tpu.memory_space<vmem>>[vector<16xi32>], vector<16xf32>,
          %min3A_271 = arith.minimumf %min3A_258, %gather3A_269 : vector<16xf32>
          %max3A_272 = arith.maximumf %max3A_259, %gather3A_269 : vector<16xf32>
          %min3A_273 = arith.minimumf %min3A_260, %gather3A_270 : vector<16xf32>
          %max3A_274 = arith.maximumf %max3A_261, %gather3A_270 : vector<16xf32>
          scf.yield %min3A_271, %max3A_272, %min3A_273, %max3A_274 : vector<16xf32>, vector<16xf32>, vector<16xf32>, vector<16xf32>
        }
        %while3A_185 = arith.constant 1 : i32
        %while3A_186:4 = scf.for %while3A_218 = %while3A_182 to %while3A_178 step %while3A_185 iter_args(%while3A_219 = %while3A_184#0, %while3A_220 = %while3A_184#1, %while3A_221 = %while3A_184#2, %while3A_222 = %while3A_184#3) -> (vector<16xf32>, vector<16xf32>, vector<16xf32>, vector<16xf32>)  : i32 {
          %mul3A_223 = arith.constant 4 : i32
          %mul3A_224 = arith.muli %while3A_218, %mul3A_223 : i32
          %add3A_225 = arith.constant 0 : i32
          %add3A_226 = arith.addi %mul3A_224, %add3A_225 : i32
          %add3A_227 = vector.broadcast %add3A_226 : i32 to vector<16xi32>
          %add3A_228 = arith.addi %max3A_133, %add3A_227 : vector<16xi32>
          %min3A_229 = arith.minsi %add3A_228, %max3A_141 : vector<16xi32>
          %gather3A_230 = tpu.vector_load_idx %arg14[%min3A_229] : memref<8192xf32, #tpu.memory_space<vmem>>[vector<16xi32>], vector<16xf32>,
          %gather3A_231 = tpu.vector_load_idx %arg15[%min3A_229] : memref<8192xf32, #tpu.memory_space<vmem>>[vector<16xi32>], vector<16xf32>,
          %min3A_232 = arith.minimumf %while3A_219, %gather3A_230 : vector<16xf32>
          %max3A_233 = arith.maximumf %while3A_220, %gather3A_230 : vector<16xf32>
          %min3A_234 = arith.minimumf %while3A_221, %gather3A_231 : vector<16xf32>
          %max3A_235 = arith.maximumf %while3A_222, %gather3A_231 : vector<16xf32>
          %mul3A_236 = arith.constant 4 : i32
          %mul3A_237 = arith.muli %while3A_218, %mul3A_236 : i32
          %add3A_238 = arith.constant 1 : i32
          %add3A_239 = arith.addi %mul3A_237, %add3A_238 : i32
          %add3A_240 = vector.broadcast %add3A_239 : i32 to vector<16xi32>
          %add3A_241 = arith.addi %max3A_133, %add3A_240 : vector<16xi32>
          %min3A_242 = arith.minsi %add3A_241, %max3A_141 : vector<16xi32>
          %gather3A_243 = tpu.vector_load_idx %arg14[%min3A_242] : memref<8192xf32, #tpu.memory_space<vmem>>[vector<16xi32>], vector<16xf32>,
          %gather3A_244 = tpu.vector_load_idx %arg15[%min3A_242] : memref<8192xf32, #tpu.memory_space<vmem>>[vector<16xi32>], vector<16xf32>,
          %min3A_245 = arith.minimumf %min3A_232, %gather3A_243 : vector<16xf32>
          %max3A_246 = arith.maximumf %max3A_233, %gather3A_243 : vector<16xf32>
          %min3A_247 = arith.minimumf %min3A_234, %gather3A_244 : vector<16xf32>
          %max3A_248 = arith.maximumf %max3A_235, %gather3A_244 : vector<16xf32>
          %mul3A_249 = arith.constant 4 : i32
          %mul3A_250 = arith.muli %while3A_218, %mul3A_249 : i32
          %add3A_251 = arith.constant 2 : i32
          %add3A_252 = arith.addi %mul3A_250, %add3A_251 : i32
          %add3A_253 = vector.broadcast %add3A_252 : i32 to vector<16xi32>
          %add3A_254 = arith.addi %max3A_133, %add3A_253 : vector<16xi32>
          %min3A_255 = arith.minsi %add3A_254, %max3A_141 : vector<16xi32>
          %gather3A_256 = tpu.vector_load_idx %arg14[%min3A_255] : memref<8192xf32, #tpu.memory_space<vmem>>[vector<16xi32>], vector<16xf32>,
          %gather3A_257 = tpu.vector_load_idx %arg15[%min3A_255] : memref<8192xf32, #tpu.memory_space<vmem>>[vector<16xi32>], vector<16xf32>,
          %min3A_258 = arith.minimumf %min3A_245, %gather3A_256 : vector<16xf32>
          %max3A_259 = arith.maximumf %max3A_246, %gather3A_256 : vector<16xf32>
          %min3A_260 = arith.minimumf %min3A_247, %gather3A_257 : vector<16xf32>
          %max3A_261 = arith.maximumf %max3A_248, %gather3A_257 : vector<16xf32>
          %mul3A_262 = arith.constant 4 : i32
          %mul3A_263 = arith.muli %while3A_218, %mul3A_262 : i32
          %add3A_264 = arith.constant 3 : i32
          %add3A_265 = arith.addi %mul3A_263, %add3A_264 : i32
          %add3A_266 = vector.broadcast %add3A_265 : i32 to vector<16xi32>
          %add3A_267 = arith.addi %max3A_133, %add3A_266 : vector<16xi32>
          %min3A_268 = arith.minsi %add3A_267, %max3A_141 : vector<16xi32>
          %gather3A_269 = tpu.vector_load_idx %arg14[%min3A_268] : memref<8192xf32, #tpu.memory_space<vmem>>[vector<16xi32>], vector<16xf32>,
          %gather3A_270 = tpu.vector_load_idx %arg15[%min3A_268] : memref<8192xf32, #tpu.memory_space<vmem>>[vector<16xi32>], vector<16xf32>,
          %min3A_271 = arith.minimumf %min3A_258, %gather3A_269 : vector<16xf32>
          %max3A_272 = arith.maximumf %max3A_259, %gather3A_269 : vector<16xf32>
          %min3A_273 = arith.minimumf %min3A_260, %gather3A_270 : vector<16xf32>
          %max3A_274 = arith.maximumf %max3A_261, %gather3A_270 : vector<16xf32>
          scf.yield %min3A_271, %max3A_272, %min3A_273, %max3A_274 : vector<16xf32>, vector<16xf32>, vector<16xf32>, vector<16xf32>
        }
        %gt3A = arith.cmpi sgt, %min3A_135, %max3A_133 : vector<16xi32>
        %jit3A_187 = arith.constant 0x7F800000 : f32
        %broadcast_in_dim3A_188 = vector.broadcast %jit3A_187 : f32 to vector<16xf32>
        %select_n3A_189 = arith.select %gt3A, %while3A_186#0, %broadcast_in_dim3A_188 : vector<16xi1>, vector<16xf32>
        %jit3A_190 = arith.constant 0xFF800000 : f32
        %broadcast_in_dim3A_191 = vector.broadcast %jit3A_190 : f32 to vector<16xf32>
        %select_n3A_192 = arith.select %gt3A, %while3A_186#1, %broadcast_in_dim3A_191 : vector<16xi1>, vector<16xf32>
        %jit3A_193 = arith.constant 0x7F800000 : f32
        %broadcast_in_dim3A_194 = vector.broadcast %jit3A_193 : f32 to vector<16xf32>
        %select_n3A_195 = arith.select %gt3A, %while3A_186#2, %broadcast_in_dim3A_194 : vector<16xi1>, vector<16xf32>
        %jit3A_196 = arith.constant 0xFF800000 : f32
        %broadcast_in_dim3A_197 = vector.broadcast %jit3A_196 : f32 to vector<16xf32>
        %select_n3A_198 = arith.select %gt3A, %while3A_186#3, %broadcast_in_dim3A_197 : vector<16xi1>, vector<16xf32>
        %get3A_199 = arith.index_cast %mul3A_118 : i32 to index
        %get3A_200 = tpu.vector_load %arg19[%get3A_199] {strides = array<i32>} : memref<1568xf32, #tpu.memory_space<vmem>>, vector<16xf32>,
        %min3A_201 = arith.minimumf %get3A_200, %select_n3A_189 : vector<16xf32>
        %swap3A = arith.index_cast %mul3A_118 : i32 to index
        %swap3A_202 = tpu.vector_load %arg19[%swap3A] {strides = array<i32>} : memref<1568xf32, #tpu.memory_space<vmem>>, vector<16xf32>,
        tpu.vector_store %arg19[%swap3A], %min3A_201 {strides = array<i32>} : memref<1568xf32, #tpu.memory_space<vmem>>, vector<16xf32>,
        %get3A_203 = arith.index_cast %mul3A_118 : i32 to index
        %get3A_204 = tpu.vector_load %arg20[%get3A_203] {strides = array<i32>} : memref<1568xf32, #tpu.memory_space<vmem>>, vector<16xf32>,
        %max3A_205 = arith.maximumf %get3A_204, %select_n3A_192 : vector<16xf32>
        %swap3A_206 = arith.index_cast %mul3A_118 : i32 to index
        %swap3A_207 = tpu.vector_load %arg20[%swap3A_206] {strides = array<i32>} : memref<1568xf32, #tpu.memory_space<vmem>>, vector<16xf32>,
        tpu.vector_store %arg20[%swap3A_206], %max3A_205 {strides = array<i32>} : memref<1568xf32, #tpu.memory_space<vmem>>, vector<16xf32>,
        %get3A_208 = arith.index_cast %mul3A_118 : i32 to index
        %get3A_209 = tpu.vector_load %arg21[%get3A_208] {strides = array<i32>} : memref<1568xf32, #tpu.memory_space<vmem>>, vector<16xf32>,
        %min3A_210 = arith.minimumf %get3A_209, %select_n3A_195 : vector<16xf32>
        %swap3A_211 = arith.index_cast %mul3A_118 : i32 to index
        %swap3A_212 = tpu.vector_load %arg21[%swap3A_211] {strides = array<i32>} : memref<1568xf32, #tpu.memory_space<vmem>>, vector<16xf32>,
        tpu.vector_store %arg21[%swap3A_211], %min3A_210 {strides = array<i32>} : memref<1568xf32, #tpu.memory_space<vmem>>, vector<16xf32>,
        %get3A_213 = arith.index_cast %mul3A_118 : i32 to index
        %get3A_214 = tpu.vector_load %arg22[%get3A_213] {strides = array<i32>} : memref<1568xf32, #tpu.memory_space<vmem>>, vector<16xf32>,
        %max3A_215 = arith.maximumf %get3A_214, %select_n3A_198 : vector<16xf32>
        %swap3A_216 = arith.index_cast %mul3A_118 : i32 to index
        %swap3A_217 = tpu.vector_load %arg22[%swap3A_216] {strides = array<i32>} : memref<1568xf32, #tpu.memory_space<vmem>>, vector<16xf32>,
        tpu.vector_store %arg22[%swap3A_216], %max3A_215 {strides = array<i32>} : memref<1568xf32, #tpu.memory_space<vmem>>, vector<16xf32>,
      }
      %scan3A_115 = arith.constant 98 : i32
    }
    %while3A_97 = arith.constant 1 : i32
    scf.for %while3A_98 = %while3A_95 to %while3A_91 step %while3A_97  : i32 {
      %mul3A_99 = arith.constant 8192 : i32
      %mul3A_100 = arith.muli %while3A_98, %mul3A_99 : i32
      %add3A_101 = arith.addi %mul3A_28, %mul3A_100 : i32
      "tpu.region"() ({
        %run_scoped3A = tpu.sem_alloc : memref<!tpu.dma_semaphore, #tpu.memory_space<semaphore_mem>>
        %dma_start3A_116 = tpu.memref_slice %arg3[%add3A_101] : memref<258200xi32, #tpu.memory_space<hbm>> -> memref<8192xi32, #tpu.memory_space<hbm>>
        %dma_start3A_117 = tpu.memref_slice %arg3[%add3A_101] : memref<258200xi32, #tpu.memory_space<hbm>> -> memref<8192xi32, #tpu.memory_space<hbm>>
        tpu.enqueue_dma source(%dma_start3A_117 : memref<8192xi32, #tpu.memory_space<hbm>>) target(%arg13 : memref<8192xi32, #tpu.memory_space<vmem>>) target_semaphore(%run_scoped3A : memref<!tpu.dma_semaphore, #tpu.memory_space<semaphore_mem>>)
        %dma_wait3A_118 = tpu.memref_slice %arg3[%add3A_101] : memref<258200xi32, #tpu.memory_space<hbm>> -> memref<8192xi32, #tpu.memory_space<hbm>>
        %dma_wait3A_119 = tpu.memref_slice %arg3[%add3A_101] : memref<258200xi32, #tpu.memory_space<hbm>> -> memref<8192xi32, #tpu.memory_space<hbm>>
        tpu.wait_dma2 semaphore(%run_scoped3A : memref<!tpu.dma_semaphore, #tpu.memory_space<semaphore_mem>>) src(%dma_wait3A_119 : memref<8192xi32, #tpu.memory_space<hbm>>) dst(%arg13 : memref<8192xi32, #tpu.memory_space<vmem>>)
        tpu.yield
      }) : () -> ()
      %dma_start3A_102 = arith.constant 0 : i32
      %dma_start3A_103 = tpu.memref_slice %arg4[%dma_start3A_102] : memref<500000xf32, #tpu.memory_space<hbm>> -> memref<500000xf32, #tpu.memory_space<hbm>>
      tpu.enqueue_indirect_dma source(%dma_start3A_103 : memref<500000xf32, #tpu.memory_space<hbm>>) target(%arg14 : memref<8192xf32, #tpu.memory_space<vmem>>) offsets(%arg13 : memref<8192xi32, #tpu.memory_space<vmem>>) semaphore(%arg23 : memref<!tpu.dma_semaphore, #tpu.memory_space<semaphore_mem>>)
      %dma_start3A_104 = arith.constant 0 : i32
      %dma_start3A_105 = tpu.memref_slice %arg5[%dma_start3A_104] : memref<500000xf32, #tpu.memory_space<hbm>> -> memref<500000xf32, #tpu.memory_space<hbm>>
      tpu.enqueue_indirect_dma source(%dma_start3A_105 : memref<500000xf32, #tpu.memory_space<hbm>>) target(%arg15 : memref<8192xf32, #tpu.memory_space<vmem>>) offsets(%arg13 : memref<8192xi32, #tpu.memory_space<vmem>>) semaphore(%arg24 : memref<!tpu.dma_semaphore, #tpu.memory_space<semaphore_mem>>)
      %dma_wait3A_106 = arith.constant 0 : i32
      %dma_wait3A_107 = tpu.memref_slice %arg4[%dma_wait3A_106] : memref<500000xf32, #tpu.memory_space<hbm>> -> memref<500000xf32, #tpu.memory_space<hbm>>
      tpu.wait_indirect_dma semaphore(%arg23 : memref<!tpu.dma_semaphore, #tpu.memory_space<semaphore_mem>>) src(%dma_wait3A_107 : memref<500000xf32, #tpu.memory_space<hbm>>) dst(%arg14 : memref<8192xf32, #tpu.memory_space<vmem>>)
      %dma_wait3A_108 = arith.constant 0 : i32
      %dma_wait3A_109 = tpu.memref_slice %arg5[%dma_wait3A_108] : memref<500000xf32, #tpu.memory_space<hbm>> -> memref<500000xf32, #tpu.memory_space<hbm>>
      tpu.wait_indirect_dma semaphore(%arg24 : memref<!tpu.dma_semaphore, #tpu.memory_space<semaphore_mem>>) src(%dma_wait3A_109 : memref<500000xf32, #tpu.memory_space<hbm>>) dst(%arg15 : memref<8192xf32, #tpu.memory_space<vmem>>)
      %scan3A_110 = arith.constant 0 : i32
      %scan3A_111 = arith.constant 0 : i32
      %scan3A_112 = arith.constant 98 : i32
      %scan3A_113 = arith.addi %scan3A_111, %scan3A_112 : i32
      %scan3A_114 = arith.constant 1 : i32
      scf.for %scan3A_116 = %scan3A_111 to %scan3A_113 step %scan3A_114  : i32 {
        %mul3A_117 = arith.constant 16 : i32
        %mul3A_118 = arith.muli %scan3A_116, %mul3A_117 : i32
        %add3A_119 = vector.broadcast %mul3A_118 : i32 to vector<16xi32>
        %add3A_120 = arith.addi %iota3A, %add3A_119 : vector<16xi32>
        %gather3A = tpu.vector_load_idx %arg10[%add3A_120] : memref<1808xi32, #tpu.memory_space<vmem>>[vector<16xi32>], vector<16xi32>,
        %add3A_121 = vector.broadcast %mul3A_118 : i32 to vector<16xi32>
        %add3A_122 = arith.addi %iota3A, %add3A_121 : vector<16xi32>
        %add3A_123 = arith.constant 1 : i32
        %add3A_124 = vector.broadcast %add3A_123 : i32 to vector<16xi32>
        %add3A_125 = arith.addi %add3A_122, %add3A_124 : vector<16xi32>
        %gather3A_126 = tpu.vector_load_idx %arg10[%add3A_125] : memref<1808xi32, #tpu.memory_space<vmem>>[vector<16xi32>], vector<16xi32>,
        %sub3A_127 = vector.broadcast %add3A_101 : i32 to vector<16xi32>
        %sub3A_128 = arith.subi %gather3A, %sub3A_127 : vector<16xi32>
        %sub3A_129 = vector.broadcast %add3A_101 : i32 to vector<16xi32>
        %sub3A_130 = arith.subi %gather3A_126, %sub3A_129 : vector<16xi32>
        %max3A_131 = arith.constant 0 : i32
        %max3A_132 = vector.broadcast %max3A_131 : i32 to vector<16xi32>
        %max3A_133 = arith.maxsi %sub3A_128, %max3A_132 : vector<16xi32>
        %min3A = arith.constant 8192 : i32
        %min3A_134 = vector.broadcast %min3A : i32 to vector<16xi32>
        %min3A_135 = arith.minsi %sub3A_130, %min3A_134 : vector<16xi32>
        %sub3A_136 = arith.constant 1 : i32
        %sub3A_137 = vector.broadcast %sub3A_136 : i32 to vector<16xi32>
        %sub3A_138 = arith.subi %min3A_135, %sub3A_137 : vector<16xi32>
        %max3A_139 = arith.constant 0 : i32
        %max3A_140 = vector.broadcast %max3A_139 : i32 to vector<16xi32>
        %max3A_141 = arith.maxsi %sub3A_138, %max3A_140 : vector<16xi32>
        %mul3A_142 = arith.constant 0 : i32
        %mul3A_143 = vector.broadcast %mul3A_142 : i32 to vector<16xi32>
        %mul3A_144 = arith.muli %iota3A, %mul3A_143 : vector<16xi32>
        %add3A_145 = vector.broadcast %scan3A_116 : i32 to vector<16xi32>
        %add3A_146 = arith.addi %mul3A_144, %add3A_145 : vector<16xi32>
        %gather3A_147 = tpu.vector_load_idx %arg12[%add3A_146] : memref<112xi32, #tpu.memory_space<vmem>>[vector<16xi32>], vector<16xi32>,
        %slice3A_148 = vector.extract_strided_slice %gather3A_147 {offsets = [0], sizes = [1], strides = [1]} : vector<16xi32> to vector<1xi32>
        %squeeze3A_149 = vector.extract %slice3A_148[0] : i32 from vector<1xi32>
        %add3A_150 = arith.constant 3 : i32
        %add3A_151 = arith.addi %squeeze3A_149, %add3A_150 : i32
        %jit3A_152 = arith.constant 4 : i32
        %div3A_153 = arith.divsi %add3A_151, %jit3A_152 : i32
        %sign3A_154 = arith.constant 0 : i32
        %sign3A_155 = arith.cmpi sgt, %add3A_151, %sign3A_154 : i32
        %sign3A_156 = arith.extui %sign3A_155 : i1 to i32
        %sign3A_157 = arith.constant 0 : i32
        %sign3A_158 = arith.cmpi slt, %add3A_151, %sign3A_157 : i32
        %sign3A_159 = arith.extui %sign3A_158 : i1 to i32
        %sign3A_160 = arith.subi %sign3A_156, %sign3A_159 : i32
        %sign3A_161 = arith.constant 0 : i32
        %sign3A_162 = arith.cmpi sgt, %jit3A_152, %sign3A_161 : i32
        %sign3A_163 = arith.extui %sign3A_162 : i1 to i32
        %sign3A_164 = arith.constant 0 : i32
        %sign3A_165 = arith.cmpi slt, %jit3A_152, %sign3A_164 : i32
        %sign3A_166 = arith.extui %sign3A_165 : i1 to i32
        %sign3A_167 = arith.subi %sign3A_163, %sign3A_166 : i32
        %ne3A_168 = arith.cmpi ne, %sign3A_160, %sign3A_167 : i32
        %rem3A_169 = arith.remsi %add3A_151, %jit3A_152 : i32
        %ne3A_170 = arith.constant 0 : i32
        %ne3A_171 = arith.cmpi ne, %rem3A_169, %ne3A_170 : i32
        %and3A_172 = arith.andi %ne3A_168, %ne3A_171 : i1
        %sub3A_173 = arith.constant 1 : i32
        %sub3A_174 = arith.subi %div3A_153, %sub3A_173 : i32
        %select_n3A_175 = arith.select %and3A_172, %sub3A_174, %div3A_153 : i32
        %while3A_176 = arith.constant 0 : i32
        %while3A_177 = arith.subi %select_n3A_175, %while3A_176 : i32
        %while3A_178 = arith.addi %while3A_176, %while3A_177 : i32
        %while3A_179 = arith.constant 1 : i32
        %while3A_180 = arith.divsi %while3A_177, %while3A_179 : i32
        %while3A_181 = arith.muli %while3A_180, %while3A_179 : i32
        %while3A_182 = arith.addi %while3A_176, %while3A_181 : i32
        %while3A_183 = arith.constant 1 : i32
        %while3A_184:4 = scf.for %while3A_218 = %while3A_176 to %while3A_182 step %while3A_183 iter_args(%while3A_219 = %broadcast_in_dim3A_3, %while3A_220 = %broadcast_in_dim3A_5, %while3A_221 = %broadcast_in_dim3A_3, %while3A_222 = %broadcast_in_dim3A_5) -> (vector<16xf32>, vector<16xf32>, vector<16xf32>, vector<16xf32>)  : i32 {
          %mul3A_223 = arith.constant 4 : i32
          %mul3A_224 = arith.muli %while3A_218, %mul3A_223 : i32
          %add3A_225 = arith.constant 0 : i32
          %add3A_226 = arith.addi %mul3A_224, %add3A_225 : i32
          %add3A_227 = vector.broadcast %add3A_226 : i32 to vector<16xi32>
          %add3A_228 = arith.addi %max3A_133, %add3A_227 : vector<16xi32>
          %min3A_229 = arith.minsi %add3A_228, %max3A_141 : vector<16xi32>
          %gather3A_230 = tpu.vector_load_idx %arg14[%min3A_229] : memref<8192xf32, #tpu.memory_space<vmem>>[vector<16xi32>], vector<16xf32>,
          %gather3A_231 = tpu.vector_load_idx %arg15[%min3A_229] : memref<8192xf32, #tpu.memory_space<vmem>>[vector<16xi32>], vector<16xf32>,
          %min3A_232 = arith.minimumf %while3A_219, %gather3A_230 : vector<16xf32>
          %max3A_233 = arith.maximumf %while3A_220, %gather3A_230 : vector<16xf32>
          %min3A_234 = arith.minimumf %while3A_221, %gather3A_231 : vector<16xf32>
          %max3A_235 = arith.maximumf %while3A_222, %gather3A_231 : vector<16xf32>
          %mul3A_236 = arith.constant 4 : i32
          %mul3A_237 = arith.muli %while3A_218, %mul3A_236 : i32
          %add3A_238 = arith.constant 1 : i32
          %add3A_239 = arith.addi %mul3A_237, %add3A_238 : i32
          %add3A_240 = vector.broadcast %add3A_239 : i32 to vector<16xi32>
          %add3A_241 = arith.addi %max3A_133, %add3A_240 : vector<16xi32>
          %min3A_242 = arith.minsi %add3A_241, %max3A_141 : vector<16xi32>
          %gather3A_243 = tpu.vector_load_idx %arg14[%min3A_242] : memref<8192xf32, #tpu.memory_space<vmem>>[vector<16xi32>], vector<16xf32>,
          %gather3A_244 = tpu.vector_load_idx %arg15[%min3A_242] : memref<8192xf32, #tpu.memory_space<vmem>>[vector<16xi32>], vector<16xf32>,
          %min3A_245 = arith.minimumf %min3A_232, %gather3A_243 : vector<16xf32>
          %max3A_246 = arith.maximumf %max3A_233, %gather3A_243 : vector<16xf32>
          %min3A_247 = arith.minimumf %min3A_234, %gather3A_244 : vector<16xf32>
          %max3A_248 = arith.maximumf %max3A_235, %gather3A_244 : vector<16xf32>
          %mul3A_249 = arith.constant 4 : i32
          %mul3A_250 = arith.muli %while3A_218, %mul3A_249 : i32
          %add3A_251 = arith.constant 2 : i32
          %add3A_252 = arith.addi %mul3A_250, %add3A_251 : i32
          %add3A_253 = vector.broadcast %add3A_252 : i32 to vector<16xi32>
          %add3A_254 = arith.addi %max3A_133, %add3A_253 : vector<16xi32>
          %min3A_255 = arith.minsi %add3A_254, %max3A_141 : vector<16xi32>
          %gather3A_256 = tpu.vector_load_idx %arg14[%min3A_255] : memref<8192xf32, #tpu.memory_space<vmem>>[vector<16xi32>], vector<16xf32>,
          %gather3A_257 = tpu.vector_load_idx %arg15[%min3A_255] : memref<8192xf32, #tpu.memory_space<vmem>>[vector<16xi32>], vector<16xf32>,
          %min3A_258 = arith.minimumf %min3A_245, %gather3A_256 : vector<16xf32>
          %max3A_259 = arith.maximumf %max3A_246, %gather3A_256 : vector<16xf32>
          %min3A_260 = arith.minimumf %min3A_247, %gather3A_257 : vector<16xf32>
          %max3A_261 = arith.maximumf %max3A_248, %gather3A_257 : vector<16xf32>
          %mul3A_262 = arith.constant 4 : i32
          %mul3A_263 = arith.muli %while3A_218, %mul3A_262 : i32
          %add3A_264 = arith.constant 3 : i32
          %add3A_265 = arith.addi %mul3A_263, %add3A_264 : i32
          %add3A_266 = vector.broadcast %add3A_265 : i32 to vector<16xi32>
          %add3A_267 = arith.addi %max3A_133, %add3A_266 : vector<16xi32>
          %min3A_268 = arith.minsi %add3A_267, %max3A_141 : vector<16xi32>
          %gather3A_269 = tpu.vector_load_idx %arg14[%min3A_268] : memref<8192xf32, #tpu.memory_space<vmem>>[vector<16xi32>], vector<16xf32>,
          %gather3A_270 = tpu.vector_load_idx %arg15[%min3A_268] : memref<8192xf32, #tpu.memory_space<vmem>>[vector<16xi32>], vector<16xf32>,
          %min3A_271 = arith.minimumf %min3A_258, %gather3A_269 : vector<16xf32>
          %max3A_272 = arith.maximumf %max3A_259, %gather3A_269 : vector<16xf32>
          %min3A_273 = arith.minimumf %min3A_260, %gather3A_270 : vector<16xf32>
          %max3A_274 = arith.maximumf %max3A_261, %gather3A_270 : vector<16xf32>
          scf.yield %min3A_271, %max3A_272, %min3A_273, %max3A_274 : vector<16xf32>, vector<16xf32>, vector<16xf32>, vector<16xf32>
        }
        %while3A_185 = arith.constant 1 : i32
        %while3A_186:4 = scf.for %while3A_218 = %while3A_182 to %while3A_178 step %while3A_185 iter_args(%while3A_219 = %while3A_184#0, %while3A_220 = %while3A_184#1, %while3A_221 = %while3A_184#2, %while3A_222 = %while3A_184#3) -> (vector<16xf32>, vector<16xf32>, vector<16xf32>, vector<16xf32>)  : i32 {
          %mul3A_223 = arith.constant 4 : i32
          %mul3A_224 = arith.muli %while3A_218, %mul3A_223 : i32
          %add3A_225 = arith.constant 0 : i32
          %add3A_226 = arith.addi %mul3A_224, %add3A_225 : i32
          %add3A_227 = vector.broadcast %add3A_226 : i32 to vector<16xi32>
          %add3A_228 = arith.addi %max3A_133, %add3A_227 : vector<16xi32>
          %min3A_229 = arith.minsi %add3A_228, %max3A_141 : vector<16xi32>
          %gather3A_230 = tpu.vector_load_idx %arg14[%min3A_229] : memref<8192xf32, #tpu.memory_space<vmem>>[vector<16xi32>], vector<16xf32>,
          %gather3A_231 = tpu.vector_load_idx %arg15[%min3A_229] : memref<8192xf32, #tpu.memory_space<vmem>>[vector<16xi32>], vector<16xf32>,
          %min3A_232 = arith.minimumf %while3A_219, %gather3A_230 : vector<16xf32>
          %max3A_233 = arith.maximumf %while3A_220, %gather3A_230 : vector<16xf32>
          %min3A_234 = arith.minimumf %while3A_221, %gather3A_231 : vector<16xf32>
          %max3A_235 = arith.maximumf %while3A_222, %gather3A_231 : vector<16xf32>
          %mul3A_236 = arith.constant 4 : i32
          %mul3A_237 = arith.muli %while3A_218, %mul3A_236 : i32
          %add3A_238 = arith.constant 1 : i32
          %add3A_239 = arith.addi %mul3A_237, %add3A_238 : i32
          %add3A_240 = vector.broadcast %add3A_239 : i32 to vector<16xi32>
          %add3A_241 = arith.addi %max3A_133, %add3A_240 : vector<16xi32>
          %min3A_242 = arith.minsi %add3A_241, %max3A_141 : vector<16xi32>
          %gather3A_243 = tpu.vector_load_idx %arg14[%min3A_242] : memref<8192xf32, #tpu.memory_space<vmem>>[vector<16xi32>], vector<16xf32>,
          %gather3A_244 = tpu.vector_load_idx %arg15[%min3A_242] : memref<8192xf32, #tpu.memory_space<vmem>>[vector<16xi32>], vector<16xf32>,
          %min3A_245 = arith.minimumf %min3A_232, %gather3A_243 : vector<16xf32>
          %max3A_246 = arith.maximumf %max3A_233, %gather3A_243 : vector<16xf32>
          %min3A_247 = arith.minimumf %min3A_234, %gather3A_244 : vector<16xf32>
          %max3A_248 = arith.maximumf %max3A_235, %gather3A_244 : vector<16xf32>
          %mul3A_249 = arith.constant 4 : i32
          %mul3A_250 = arith.muli %while3A_218, %mul3A_249 : i32
          %add3A_251 = arith.constant 2 : i32
          %add3A_252 = arith.addi %mul3A_250, %add3A_251 : i32
          %add3A_253 = vector.broadcast %add3A_252 : i32 to vector<16xi32>
          %add3A_254 = arith.addi %max3A_133, %add3A_253 : vector<16xi32>
          %min3A_255 = arith.minsi %add3A_254, %max3A_141 : vector<16xi32>
          %gather3A_256 = tpu.vector_load_idx %arg14[%min3A_255] : memref<8192xf32, #tpu.memory_space<vmem>>[vector<16xi32>], vector<16xf32>,
          %gather3A_257 = tpu.vector_load_idx %arg15[%min3A_255] : memref<8192xf32, #tpu.memory_space<vmem>>[vector<16xi32>], vector<16xf32>,
          %min3A_258 = arith.minimumf %min3A_245, %gather3A_256 : vector<16xf32>
          %max3A_259 = arith.maximumf %max3A_246, %gather3A_256 : vector<16xf32>
          %min3A_260 = arith.minimumf %min3A_247, %gather3A_257 : vector<16xf32>
          %max3A_261 = arith.maximumf %max3A_248, %gather3A_257 : vector<16xf32>
          %mul3A_262 = arith.constant 4 : i32
          %mul3A_263 = arith.muli %while3A_218, %mul3A_262 : i32
          %add3A_264 = arith.constant 3 : i32
          %add3A_265 = arith.addi %mul3A_263, %add3A_264 : i32
          %add3A_266 = vector.broadcast %add3A_265 : i32 to vector<16xi32>
          %add3A_267 = arith.addi %max3A_133, %add3A_266 : vector<16xi32>
          %min3A_268 = arith.minsi %add3A_267, %max3A_141 : vector<16xi32>
          %gather3A_269 = tpu.vector_load_idx %arg14[%min3A_268] : memref<8192xf32, #tpu.memory_space<vmem>>[vector<16xi32>], vector<16xf32>,
          %gather3A_270 = tpu.vector_load_idx %arg15[%min3A_268] : memref<8192xf32, #tpu.memory_space<vmem>>[vector<16xi32>], vector<16xf32>,
          %min3A_271 = arith.minimumf %min3A_258, %gather3A_269 : vector<16xf32>
          %max3A_272 = arith.maximumf %max3A_259, %gather3A_269 : vector<16xf32>
          %min3A_273 = arith.minimumf %min3A_260, %gather3A_270 : vector<16xf32>
          %max3A_274 = arith.maximumf %max3A_261, %gather3A_270 : vector<16xf32>
          scf.yield %min3A_271, %max3A_272, %min3A_273, %max3A_274 : vector<16xf32>, vector<16xf32>, vector<16xf32>, vector<16xf32>
        }
        %gt3A = arith.cmpi sgt, %min3A_135, %max3A_133 : vector<16xi32>
        %jit3A_187 = arith.constant 0x7F800000 : f32
        %broadcast_in_dim3A_188 = vector.broadcast %jit3A_187 : f32 to vector<16xf32>
        %select_n3A_189 = arith.select %gt3A, %while3A_186#0, %broadcast_in_dim3A_188 : vector<16xi1>, vector<16xf32>
        %jit3A_190 = arith.constant 0xFF800000 : f32
        %broadcast_in_dim3A_191 = vector.broadcast %jit3A_190 : f32 to vector<16xf32>
        %select_n3A_192 = arith.select %gt3A, %while3A_186#1, %broadcast_in_dim3A_191 : vector<16xi1>, vector<16xf32>
        %jit3A_193 = arith.constant 0x7F800000 : f32
        %broadcast_in_dim3A_194 = vector.broadcast %jit3A_193 : f32 to vector<16xf32>
        %select_n3A_195 = arith.select %gt3A, %while3A_186#2, %broadcast_in_dim3A_194 : vector<16xi1>, vector<16xf32>
        %jit3A_196 = arith.constant 0xFF800000 : f32
        %broadcast_in_dim3A_197 = vector.broadcast %jit3A_196 : f32 to vector<16xf32>
        %select_n3A_198 = arith.select %gt3A, %while3A_186#3, %broadcast_in_dim3A_197 : vector<16xi1>, vector<16xf32>
        %get3A_199 = arith.index_cast %mul3A_118 : i32 to index
        %get3A_200 = tpu.vector_load %arg19[%get3A_199] {strides = array<i32>} : memref<1568xf32, #tpu.memory_space<vmem>>, vector<16xf32>,
        %min3A_201 = arith.minimumf %get3A_200, %select_n3A_189 : vector<16xf32>
        %swap3A = arith.index_cast %mul3A_118 : i32 to index
        %swap3A_202 = tpu.vector_load %arg19[%swap3A] {strides = array<i32>} : memref<1568xf32, #tpu.memory_space<vmem>>, vector<16xf32>,
        tpu.vector_store %arg19[%swap3A], %min3A_201 {strides = array<i32>} : memref<1568xf32, #tpu.memory_space<vmem>>, vector<16xf32>,
        %get3A_203 = arith.index_cast %mul3A_118 : i32 to index
        %get3A_204 = tpu.vector_load %arg20[%get3A_203] {strides = array<i32>} : memref<1568xf32, #tpu.memory_space<vmem>>, vector<16xf32>,
        %max3A_205 = arith.maximumf %get3A_204, %select_n3A_192 : vector<16xf32>
        %swap3A_206 = arith.index_cast %mul3A_118 : i32 to index
        %swap3A_207 = tpu.vector_load %arg20[%swap3A_206] {strides = array<i32>} : memref<1568xf32, #tpu.memory_space<vmem>>, vector<16xf32>,
        tpu.vector_store %arg20[%swap3A_206], %max3A_205 {strides = array<i32>} : memref<1568xf32, #tpu.memory_space<vmem>>, vector<16xf32>,
        %get3A_208 = arith.index_cast %mul3A_118 : i32 to index
        %get3A_209 = tpu.vector_load %arg21[%get3A_208] {strides = array<i32>} : memref<1568xf32, #tpu.memory_space<vmem>>, vector<16xf32>,
        %min3A_210 = arith.minimumf %get3A_209, %select_n3A_195 : vector<16xf32>
        %swap3A_211 = arith.index_cast %mul3A_118 : i32 to index
        %swap3A_212 = tpu.vector_load %arg21[%swap3A_211] {strides = array<i32>} : memref<1568xf32, #tpu.memory_space<vmem>>, vector<16xf32>,
        tpu.vector_store %arg21[%swap3A_211], %min3A_210 {strides = array<i32>} : memref<1568xf32, #tpu.memory_space<vmem>>, vector<16xf32>,
        %get3A_213 = arith.index_cast %mul3A_118 : i32 to index
        %get3A_214 = tpu.vector_load %arg22[%get3A_213] {strides = array<i32>} : memref<1568xf32, #tpu.memory_space<vmem>>, vector<16xf32>,
        %max3A_215 = arith.maximumf %get3A_214, %select_n3A_198 : vector<16xf32>
        %swap3A_216 = arith.index_cast %mul3A_118 : i32 to index
        %swap3A_217 = tpu.vector_load %arg22[%swap3A_216] {strides = array<i32>} : memref<1568xf32, #tpu.memory_space<vmem>>, vector<16xf32>,
        tpu.vector_store %arg22[%swap3A_216], %max3A_215 {strides = array<i32>} : memref<1568xf32, #tpu.memory_space<vmem>>, vector<16xf32>,
      }
      %scan3A_115 = arith.constant 98 : i32
    }
    "tpu.region"() ({
      %run_scoped3A = tpu.sem_alloc : memref<!tpu.dma_semaphore, #tpu.memory_space<semaphore_mem>>
      %dma_start3A_98 = tpu.memref_slice %arg6[%mul3A_2] : memref<50176xf32, #tpu.memory_space<hbm>> -> memref<1568xf32, #tpu.memory_space<hbm>>
      %dma_start3A_99 = tpu.memref_slice %arg6[%mul3A_2] : memref<50176xf32, #tpu.memory_space<hbm>> -> memref<1568xf32, #tpu.memory_space<hbm>>
      tpu.enqueue_dma source(%arg19 : memref<1568xf32, #tpu.memory_space<vmem>>) target(%dma_start3A_99 : memref<1568xf32, #tpu.memory_space<hbm>>) target_semaphore(%run_scoped3A : memref<!tpu.dma_semaphore, #tpu.memory_space<semaphore_mem>>)
      %dma_wait3A_100 = tpu.memref_slice %arg6[%mul3A_2] : memref<50176xf32, #tpu.memory_space<hbm>> -> memref<1568xf32, #tpu.memory_space<hbm>>
      %dma_wait3A_101 = tpu.memref_slice %arg6[%mul3A_2] : memref<50176xf32, #tpu.memory_space<hbm>> -> memref<1568xf32, #tpu.memory_space<hbm>>
      tpu.wait_dma2 semaphore(%run_scoped3A : memref<!tpu.dma_semaphore, #tpu.memory_space<semaphore_mem>>) src(%arg19 : memref<1568xf32, #tpu.memory_space<vmem>>) dst(%dma_wait3A_101 : memref<1568xf32, #tpu.memory_space<hbm>>)
      tpu.yield
    }) : () -> ()
    "tpu.region"() ({
      %run_scoped3A = tpu.sem_alloc : memref<!tpu.dma_semaphore, #tpu.memory_space<semaphore_mem>>
      %dma_start3A_98 = tpu.memref_slice %arg7[%mul3A_2] : memref<50176xf32, #tpu.memory_space<hbm>> -> memref<1568xf32, #tpu.memory_space<hbm>>
      %dma_start3A_99 = tpu.memref_slice %arg7[%mul3A_2] : memref<50176xf32, #tpu.memory_space<hbm>> -> memref<1568xf32, #tpu.memory_space<hbm>>
      tpu.enqueue_dma source(%arg20 : memref<1568xf32, #tpu.memory_space<vmem>>) target(%dma_start3A_99 : memref<1568xf32, #tpu.memory_space<hbm>>) target_semaphore(%run_scoped3A : memref<!tpu.dma_semaphore, #tpu.memory_space<semaphore_mem>>)
      %dma_wait3A_100 = tpu.memref_slice %arg7[%mul3A_2] : memref<50176xf32, #tpu.memory_space<hbm>> -> memref<1568xf32, #tpu.memory_space<hbm>>
      %dma_wait3A_101 = tpu.memref_slice %arg7[%mul3A_2] : memref<50176xf32, #tpu.memory_space<hbm>> -> memref<1568xf32, #tpu.memory_space<hbm>>
      tpu.wait_dma2 semaphore(%run_scoped3A : memref<!tpu.dma_semaphore, #tpu.memory_space<semaphore_mem>>) src(%arg20 : memref<1568xf32, #tpu.memory_space<vmem>>) dst(%dma_wait3A_101 : memref<1568xf32, #tpu.memory_space<hbm>>)
      tpu.yield
    }) : () -> ()
    "tpu.region"() ({
      %run_scoped3A = tpu.sem_alloc : memref<!tpu.dma_semaphore, #tpu.memory_space<semaphore_mem>>
      %dma_start3A_98 = tpu.memref_slice %arg8[%mul3A_2] : memref<50176xf32, #tpu.memory_space<hbm>> -> memref<1568xf32, #tpu.memory_space<hbm>>
      %dma_start3A_99 = tpu.memref_slice %arg8[%mul3A_2] : memref<50176xf32, #tpu.memory_space<hbm>> -> memref<1568xf32, #tpu.memory_space<hbm>>
      tpu.enqueue_dma source(%arg21 : memref<1568xf32, #tpu.memory_space<vmem>>) target(%dma_start3A_99 : memref<1568xf32, #tpu.memory_space<hbm>>) target_semaphore(%run_scoped3A : memref<!tpu.dma_semaphore, #tpu.memory_space<semaphore_mem>>)
      %dma_wait3A_100 = tpu.memref_slice %arg8[%mul3A_2] : memref<50176xf32, #tpu.memory_space<hbm>> -> memref<1568xf32, #tpu.memory_space<hbm>>
      %dma_wait3A_101 = tpu.memref_slice %arg8[%mul3A_2] : memref<50176xf32, #tpu.memory_space<hbm>> -> memref<1568xf32, #tpu.memory_space<hbm>>
      tpu.wait_dma2 semaphore(%run_scoped3A : memref<!tpu.dma_semaphore, #tpu.memory_space<semaphore_mem>>) src(%arg21 : memref<1568xf32, #tpu.memory_space<vmem>>) dst(%dma_wait3A_101 : memref<1568xf32, #tpu.memory_space<hbm>>)
      tpu.yield
    }) : () -> ()
    "tpu.region"() ({
      %run_scoped3A = tpu.sem_alloc : memref<!tpu.dma_semaphore, #tpu.memory_space<semaphore_mem>>
      %dma_start3A_98 = tpu.memref_slice %arg9[%mul3A_2] : memref<50176xf32, #tpu.memory_space<hbm>> -> memref<1568xf32, #tpu.memory_space<hbm>>
      %dma_start3A_99 = tpu.memref_slice %arg9[%mul3A_2] : memref<50176xf32, #tpu.memory_space<hbm>> -> memref<1568xf32, #tpu.memory_space<hbm>>
      tpu.enqueue_dma source(%arg22 : memref<1568xf32, #tpu.memory_space<vmem>>) target(%dma_start3A_99 : memref<1568xf32, #tpu.memory_space<hbm>>) target_semaphore(%run_scoped3A : memref<!tpu.dma_semaphore, #tpu.memory_space<semaphore_mem>>)
      %dma_wait3A_100 = tpu.memref_slice %arg9[%mul3A_2] : memref<50176xf32, #tpu.memory_space<hbm>> -> memref<1568xf32, #tpu.memory_space<hbm>>
      %dma_wait3A_101 = tpu.memref_slice %arg9[%mul3A_2] : memref<50176xf32, #tpu.memory_space<hbm>> -> memref<1568xf32, #tpu.memory_space<hbm>>
      tpu.wait_dma2 semaphore(%run_scoped3A : memref<!tpu.dma_semaphore, #tpu.memory_space<semaphore_mem>>) src(%arg22 : memref<1568xf32, #tpu.memory_space<vmem>>) dst(%dma_wait3A_101 : memref<1568xf32, #tpu.memory_space<hbm>>)
      tpu.yield
    }) : () -> ()
    return
  }
}

</mosaic_0001>

<sc_bundles>
// kernel: _sc_bbox.3.cloned.1.call-start
scs
__scs_entry_jumppad:
0x0: {  	(pc) =	sbr.rel $0x88, $3  }
0x1: {  	(tag) =	ssettag $0x0;
	lr =	simm.s32 $0x1  }
0x2: {  	[smem:$0x3F9D] =	sst lr;
	_ =	strace $0xD0000000  }
0x3: {  	_ = 	snop  }
0x4: {  	_ = 	snop  }
0x5: {  	_ = 	snop  }
0x6: {  	_ = 	snop  }
0x7: {  	_ = 	snop  }
__scs_overlays_trampoline_lowered:
0x8: {  	[smem:$0x3FAC] =	sst s0  }
0x9: {  	[smem:$0x3FAD] =	sst s1  }
0xa: {  	[smem:$0x3FAE] =	sst s2  }
0xb: {  	[smem:$0x3FAF] =	sst s3  }
0xc: {  	[smem:$0x3FB0] =	sst s4  }
0xd: {  	[smem:$0x3FB1] =	sst s5  }
0xe: {  	[smem:$0x3FB2] =	sst s6  }
0xf: {  	[smem:$0x3FB3] =	sst s7  }
0x10: {  	[smem:$0x3FB4] =	sst s8  }
0x11: {  	[smem:$0x3FB5] =	sst s9;
	s0 =	simm.s32 @!p0 $0x0  }
0x12: {  	s1 =	sld [smem:$0x3F9B];
	s0 =	simm.s32 @p0 $0x1  }
0x13: {  	[smem:$0x3FB6] =	sst s0;
	s0 =	simm.s32 @!p1 $0x0  }
0x14: {  	s2 =	sld [smem:$0x3F9A];
	s0 =	simm.s32 @p1 $0x1  }
0x15: {  	[smem:$0x3FB7] =	sst s0;
	s0 =	simm.s32 @!p2 $0x0  }
0x16: {  	s3 =	sld [smem:$0x3FDB];
	s0 =	simm.s32 @p2 $0x1  }
0x17: {  	s4 =	simm.s32 $0x1BF5;
	[smem:$0x3FB9] =	sst s0  }
0x18: {  	s0 =	sld [smem:$0x3F9C];
	_ =	swait.ge [sflag:s4], $0x0  }
0x19: {  	s7 =	sld [smem:$0x3F9D]  }
0x1a: {  	s8 =	sadd.s32 $0xFFFFE003, lr  }
0x1b: {  	s9 =	sadd.s32 $0xFFFFFEF7, lr;
	s5 =	simm.s32 $0xFFFFFFFF;
	p2 =	slt.u32 s8, $0xFFFFF086  }
0x1c: {  	p1 =	slt.u32 s9, $0xF7A;
	s5 =	simm.s32 @!p2 $0x0  }
0x1d: {  	s5 =	simm.s32 @p1 $0x1;
	p0 =	seq.s32 s7, s2  }
0x1e: {  	s7 =	smul.u32 @!p0 $0xF7A, s2;
	p2 =	seq.s32 @!p0 s5, $0x0  }
0x1f: {  	s9 =	smul.u32 $0xF7A, s1;
	s8 =	simm.s32 @!p0 $0x1BF5;
	p2 =	por !p2, p0  }
0x20: {  	[sflag:s8] =	ssyncset.s32 @!p0 $0xFFFFF086;
	s6 =	sadd.s32 @!p0 s3, s7;
	s7 =	simm.s32 @!p0 $0x108  }
0x21: {  	s3 =	sadd.s32 s3, s9;
	s6 =	sadd.s32 @!p0 $0x88, s6;
	s7 =	simm.s32 @p2 $0x1082  }
0x22: {  	[simem:s7], [sflag:s8] =	dma.local @!p0 [hbm:s6], $0xF7A  }
0x23: {  	s9 =	sor.u32 $0xD0000000, s2;
	s6 =	simm.s32 $0x108;
	_ =	swait.ge @!p0 [sflag:s8], $0x0  }
0x24: {  	s3 =	sadd.s32 $0x88, s3;
	s6 =	simm.s32 @!p1 $0x1082;
	[sflag:s4] =	ssyncset.s32 $0xFFFFF086  }
0x25: {  	[simem:s6], [sflag:s4] =	dma.local [hbm:s3], $0xF7A  }
0x26: {  	[smem:$0x3F9D] =	sst s1;
	(tag) =	ssettag s2;
	_ =	strace s9  }
0x27: {  	s1 =	sld [smem:$0x3FAD]  }
0x28: {  	s2 =	sld [smem:$0x3FAE]  }
0x29: {  	s4 =	sld [smem:$0x3FB0]  }
0x2a: {  	p0 =	seq.s32 s5, $0x0;
	s5 =	sld [smem:$0x3FB1]  }
0x2b: {  	s6 =	sld [smem:$0x3FB2]  }
0x2c: {  	s7 =	sld [smem:$0x3FB3]  }
0x2d: {  	s3 =	simm.s32 $0x108;
	s8 =	sld [smem:$0x3FB4]  }
0x2e: {  	s3 =	simm.s32 @!p0 $0x1082;
	s9 =	sld [smem:$0x3FB5]  }
0x2f: {  	lr =	sadd.s32 s0, s3;
	s0 =	sld [smem:$0x3FAC]  }
0x30: {  	s3 =	sld [smem:$0x3FAF]  }
0x31: {  	[smem:$0x3FB8] =	sst s10  }
0x32: {  	s10 =	sld [smem:$0x3FB6];
	_ =	sdelay $0x3  }
0x33: {  	p0 =	seq.s32 s10, $0x1;
	s10 =	sld [smem:$0x3FB8];
	_ =	sdelay $0x3  }
0x34: {  	[smem:$0x3FB8] =	sst s10  }
0x35: {  	s10 =	sld [smem:$0x3FB7];
	_ =	sdelay $0x3  }
0x36: {  	p1 =	seq.s32 s10, $0x1;
	s10 =	sld [smem:$0x3FB8];
	_ =	sdelay $0x3  }
0x37: {  	[smem:$0x3FB8] =	sst s10  }
0x38: {  	s10 =	sld [smem:$0x3FB9]  }
0x39: {  	_ = 	snop;
	(pc) =	sbr.ind lr, $3  }
0x3a: {  	_ = 	snop  }
0x3b: {  	_ = 	snop  }
0x3c: {  	p2 =	seq.s32 s10, $0x1;
	s10 =	sld [smem:$0x3FB8]  }
0x3d: {  	_ =	shalt  }
0x3e: {  	_ =	shalt  }
0x3f: {  	_ =	shalt  }
0x40: {  	_ =	shalt  }
0x41: {  	_ =	shalt  }
0x42: {  	_ =	shalt  }
0x43: {  	_ =	shalt  }
0x44: {  	_ =	shalt  }
0x45: {  	_ =	shalt  }
0x46: {  	_ =	shalt  }
0x47: {  	_ =	shalt  }
0x48: {  	_ =	shalt  }
0x49: {  	_ =	shalt  }
0x4a: {  	_ =	shalt  }
0x4b: {  	_ =	shalt  }
0x4c: {  	_ =	shalt  }
0x4d: {  	_ =	shalt  }
0x4e: {  	_ =	shalt  }
0x4f: {  	_ =	shalt  }
0x50: {  	_ =	shalt  }
0x51: {  	_ =	shalt  }
0x52: {  	_ =	shalt  }
0x53: {  	_ =	shalt  }
0x54: {  	_ =	shalt  }
0x55: {  	_ =	shalt  }
0x56: {  	_ =	shalt  }
0x57: {  	_ =	shalt  }
0x58: {  	_ =	shalt  }
0x59: {  	_ =	shalt  }
0x5a: {  	_ =	shalt  }
0x5b: {  	_ =	shalt  }
0x5c: {  	_ =	shalt  }
0x5d: {  	_ =	shalt  }
0x5e: {  	_ =	shalt  }
0x5f: {  	_ =	shalt  }
0x60: {  	_ =	shalt  }
0x61: {  	_ =	shalt  }
0x62: {  	_ =	shalt  }
0x63: {  	_ =	shalt  }
0x64: {  	_ =	shalt  }
0x65: {  	_ =	shalt  }
0x66: {  	_ =	shalt  }
0x67: {  	_ =	shalt  }
0x68: {  	_ =	shalt  }
0x69: {  	_ =	shalt  }
0x6a: {  	_ =	shalt  }
0x6b: {  	_ =	shalt  }
0x6c: {  	_ =	shalt  }
0x6d: {  	_ =	shalt  }
0x6e: {  	_ =	shalt  }
0x6f: {  	_ =	shalt  }
0x70: {  	_ =	shalt  }
0x71: {  	_ =	shalt  }
0x72: {  	_ =	shalt  }
0x73: {  	_ =	shalt  }
0x74: {  	_ =	shalt  }
0x75: {  	_ =	shalt  }
0x76: {  	_ =	shalt  }
0x77: {  	_ =	shalt  }
0x78: {  	_ =	shalt  }
0x79: {  	_ =	shalt  }
0x7a: {  	_ =	shalt  }
0x7b: {  	_ =	shalt  }
0x7c: {  	_ =	shalt  }
0x7d: {  	_ =	shalt  }
0x7e: {  	_ =	shalt  }
0x7f: {  	_ =	shalt  }
0x80: {  	_ =	shalt  }
0x81: {  	_ =	shalt  }
0x82: {  	_ =	shalt  }
0x83: {  	_ =	shalt  }
0x84: {  	_ =	shalt  }
0x85: {  	_ =	shalt  }
0x86: {  	_ =	shalt  }
0x87: {  	_ =	shalt  }
.Lfunc_end0:
.L_simem_size_0:
called_computation_lowered:
.L_overlay_start_0:
0x88: {  	s2 =	sld [smem:$0x3FD9]  }
0x89: {  	s3 =	sld [smem:$0x3FFE];
	_ =	sdelay $0x1  }
0x8a: {  	s1 =	srdreg.scid  }
0x8b: {  	s0 =	sand.u32 $0x1, s1  }
0x8c: {  	s15 =	sshll.u32 s0, $0xA;
	s2 =	sadd.s32 s3, s2  }
0x8d: {  	s2 =	sadd.s32 s2, s15  }
0x8e: {  	[smem:$0x3FC4] =	sst s2  }
0x8f: {  	_ = 	snop  }
0x90: {  	s2 =	sld [smem:$0x3FC9]  }
0x91: {  	s16 =	sld [smem:$0x3FD0]  }
0x92: {  	s4 =	sld [smem:$0x3FC8]  }
0x93: {  	s5 =	sld [smem:$0x3FC7]  }
0x94: {  	s7 =	simm.s32 $0xA;
	s8 =	simm.s32 $0x10;
	s6 =	sld [smem:$0x3FC6]  }
0x95: {  	[smem:s8], [sflag:s7] =	dma.local [hbm:s16], $0x1  }
0x96: {  	_ =	swait.eq [sflag:s7], $0x1  }
0x97: {  	s17 =	sld [smem:$0x10]  }
0x98: {  	s18 =	sld [smem:$0x11];
	[sflag:s7] =	ssyncset.done $0x0  }
0x99: {  	s9 =	sld [smem:$0x12];
	[sflag:s7] =	ssyncadd.s32 $0xFFFFFFFF  }
0x9a: {  	s19 =	sld [smem:$0x13];
	(tm) =	ssettm $0x1  }
0x9b: {  	s10 =	sld [smem:$0x3FFB];
	_ =	sdelay $0x3  }
0x9c: {  	_ =	strace s10  }
0x9d: {  	s10 =	sld [smem:$0x3FFC];
	_ =	sdelay $0x3  }
0x9e: {  	_ =	strace s10  }
0x9f: {  	s10 =	sld [smem:$0x3FFD];
	_ =	sdelay $0x3  }
0xa0: {  	_ =	strace s10  }
0xa1: {  	_ =	strace $0x8FFFFFFF  }
0xa2: {  	s20 =	sld [smem:$0x3FDB];
	_ =	sdelay $0x1  }
0xa3: {  	s11 =	simm.s32 $_scs_section_size  }
0xa4: {  	s12 =	simm.s32 $_size__tile_overlayer_lowered;
	s13 =	simm.s32 $_tile_overlayer_lowered  }
0xa5: {  	s23 =	simm.s32 $0x1BFF;
	s22 =	sshll.u32 s13, $0x1;
	s10 =	sadd.s32 s11, s20  }
0xa6: {  	s14 =	simm.s32 $0x0;
	s21 =	sshll.u32 s12, $0x1;
	s12 =	sadd.s32 s22, s10  }
0xa7: {  	[timem:s14], [sflag:s23] =	dma.local [hbm:s12], s21  }
0xa8: {  	_ =	swait.ge [sflag:s23], s21  }
0xa9: {  	s11 =	ssub.s32 $0x0, s21;
	[sflag:s23] =	ssyncset.done $0x0  }
0xaa: {  	[sflag:s23] =	ssyncadd.s32 s11;
	_ =	sdelay $0x1  }
0xab: {  	s24 =	simm.s32 $0x1B8B  }
0xac: {  	_ =	swait.ge [sflag:s24], $0x1  }
0xad: {  	[sflag:s24] =	ssyncset.done $0x0  }
0xae: {  	s25 =	simm.s32 $0x1B8E;
	[sflag:s24] =	ssyncadd.s32 $0xFFFFFFFF  }
0xaf: {  	s26 =	simm.s32 $execute0_lowered;
	[smem:$0x3FD2] =	sst s25  }
0xb0: {  	s11 =	sshll.u32 s26, $0x1;
	_ =	strace $0x80000046;
	[dreg:$0x1] =	wrdreg $0xFFFFFFFF  }
0xb1: {  	s28 =	simm.s32 $_size_execute0_lowered;
	s10 =	sadd.s32 s10, s11;
	[dreg:$0x0] =	wrdreg $0x0  }
0xb2: {  	s11 =	sshll.u32 s28, $0x1;
	[dreg:$0x2] =	wrdreg s10  }
0xb3: {  	[dreg:$0x3] =	wrdreg s11  }
0xb4: {  	[dreg:$0x4] =	wrdreg $0xC0  }
0xb5: {  	_ =	task [dreg:s14], $0x5FFFF  }
0xb6: {  	[dreg:$0x1] =	wrdreg $0xFFFFFFFF  }
0xb7: {  	[dreg:$0x0] =	wrdreg $0x60  }
0xb8: {  	[dreg:$0x2] =	wrdreg s2  }
0xb9: {  	[dreg:$0x3] =	wrdreg s4  }
0xba: {  	[dreg:$0x4] =	wrdreg s5  }
0xbb: {  	[dreg:$0x5] =	wrdreg s6  }
0xbc: {  	[dreg:$0x6] =	wrdreg s17  }
0xbd: {  	[dreg:$0x7] =	wrdreg s18  }
0xbe: {  	[dreg:$0x8] =	wrdreg s9  }
0xbf: {  	[dreg:$0x9] =	wrdreg s19  }
0xc0: {  	[dreg:$0xa] =	wrdreg $0x9  }
0xc1: {  	_ =	task.clear_ibuf [dreg:s14], $0xBFFFF;
	_ =	strace $0x90000046  }
0xc2: {  	s29 =	simm.s32 $0x9;
	_ =	strace $0x80000048  }
0xc3: {  	_ =	swait.ge [sflag:s29], $0x1  }
0xc4: {  	[sflag:s29] =	ssyncadd.s32 $0xFFFFFFFF  }
0xc5: {  	_ =	strace $0x90000048  }
0xc6: {  	_ =	sfence  }
0xc7: {  	s30 =	sld [smem:$0x0];
	_ =	sdelay $0x2  }
0xc8: {  	s31 =	sshll.u32 s1, $0xD;
	s1 =	sshrl.u32 s1, $0x2  }
0xc9: {  	s3 =	sand.u32 $0x4000, s31;
	s1 =	sadd.s32 s1, s30  }
0xca: {  	s0 =	sor.u32 s3, s0;
	s1 =	sshll.u32 s1, $0x11  }
0xcb: {  	s0 =	sor.u32 s1, s0  }
0xcc: {  	s0 =	sadd.s32 $0x8F2B, s0  }
0xcd: {  	[sflag:s0] =	ssyncadd.remote.s32 $0x1  }
0xce: {  	_ =	sfence.sel $0xFFFF  }
0xcf: {  	[dreg:$0x0] =	wrdreg $0xFFFFFFFF;
	(pc) =	sbr.abs _section_cstart, $3  }
0xd0: {  	[dreg:$0x1] =	wrdreg $0xFFFFFFFF  }
0xd1: {  	_ =	task.clear_ibuf [dreg:s14], $0x2FFFF;
	_ =	strace $0x9FFFFFFF  }
0xd2: {  	(tm) =	ssettm $0x7FFFFFFF  }
0xd3: {  	_ =	shalt  }
tec
execute0_lowered:
.L_overlay_start_1:
0x0: {  	(tag) =	ssettag $0x1  }
0x1: {  	s3 =	rddreg [dreg:$0x0]  }
0x2: {  	s0 =	rddreg [dreg:$0x1]  }
0x3: {  	s1 =	rddreg [dreg:$0x2]  }
0x4: {  	s2 =	rddreg [dreg:$0x3]  }
0x5: {  	s4 =	rddreg [dreg:$0x4]  }
0x6: {  	s8 =	rddreg [dreg:$0x5]  }
0x7: {  	s9 =	rddreg [dreg:$0x6]  }
0x8: {  	s10 =	rddreg [dreg:$0x7]  }
0x9: {  	s5 =	srdreg.scid;
	s7 =	stileid.u32  }
0xa: {  	v0 =	vlaneseq.u32;
	s13 =	simm.s32 $0x780;
	s14 =	simm.s32 $0x1;
	s15 =	simm.s32 $0xF00  }
0xb: {  	s16 =	simm.s32 $0x2000;
	s17 =	simm.s32 $0x2F00;
	s18 =	simm.s32 $0x4F00;
	v1 =	vand.u32 $0x7, v0  }
0xc: {  	s19 =	simm.s32 $0x2;
	s6 =	sand.u32 $0x1, s5;
	s7 =	sshll.u32 s7, $0x1;
	v3 =	vmul.u32 $0x10, v1  }
0xd: {  	s20 =	simm.s32 $0xE80;
	s11 =	ssub.s32 $0x2, s6;
	s6 =	sor.u32 s6, s7;
	v1 =	vmul.u32 $0x10, v0  }
0xe: {  	s22 =	simm.s32 $0x4;
	s23 =	simm.s32 $0x8F00;
	v2 =	vadd.s32 $0x1, v0;
	s12 =	smul.u32 $0xC4, s6;
	v3 =	vor.u32 $0xFFFFFF80, v3  }
.Ltmp0:
0xf: {  	s24 =	simm.s32 $0xAF00;
	s5 =	simm.s32 $0x0;
	v4 =	vor.u32 $0x1, v1;
	v5 =	vor.u32 $0x2, v1;
	v6 =	vor.u32 $0x3, v1;
	(pc) =	sbr.rel .LBB2_1-.Ltmp0, $4  }
0x10: {  	s30 =	simm.s32 $0x0;
	[smem:$0x7FF] =	sst s5;
	s31 =	sshrl.u32 s11, $0x1;
	v7 =	vor.u32 $0x4, v1;
	v8 =	vor.u32 $0x5, v1;
	v9 =	vor.u32 $0x6, v1  }
0x11: {  	_ =	strace $0x80000047;
	s11 =	ssub.s32 s11, s31;
	v10 =	vor.u32 $0x7, v1;
	v11 =	vor.u32 $0x8, v1;
	v12 =	vor.u32 $0x9, v1;
	s6 =	sadd.s32 s3, s12  }
0x12: {  	v13 =	vor.u32 $0xA, v1;
	v14 =	vor.u32 $0xB, v1;
	v15 =	vor.u32 $0xC, v1;
	s7 =	sadd.s32 s4, s12;
	s8 =	sadd.s32 s8, s12;
	s9 =	sadd.s32 s9, s12  }
0x13: {  	v16 =	vor.u32 $0xD, v1;
	v17 =	vor.u32 $0xE, v1;
	v18 =	vor.u32 $0xF, v1;
	s10 =	sadd.s32 s10, s12;
	s11 =	smax.u32 s11, $0x1;
	s12 =	simm.s32 $0x5  }
.LBB2_43:
0x14: {  	s3 =	simm.s32 $0xCF00  }
0x15: {  	[hbm4b:s7+s5] =	stream.linear.scatter [tilespmem:s3], [sflag:$0x5], $0x620, $0x38;
	[tilespmem:$0xE900] =	vst v63  }
0x16: {  	_ =	swait.ge [sflag:s12], $0x620  }
0x17: {  	[sflag:s12] =	ssyncset.done $0x0  }
0x18: {  	s28 =	simm.s32 $0xD580;
	[sflag:s12] =	ssyncadd.s32 $0xFFFFF9E0  }
0x19: {  	[hbm4b:s8+s5] =	stream.linear.scatter [tilespmem:s28], [sflag:$0x5], $0x620, $0x38;
	[tilespmem:$0xE900] =	vst v63  }
0x1a: {  	_ =	swait.ge [sflag:s12], $0x620  }
0x1b: {  	[sflag:s12] =	ssyncset.done $0x0  }
0x1c: {  	s29 =	simm.s32 $0xDC00;
	[sflag:s12] =	ssyncadd.s32 $0xFFFFF9E0  }
0x1d: {  	[hbm4b:s9+s5] =	stream.linear.scatter [tilespmem:s29], [sflag:$0x5], $0x620, $0x38;
	[tilespmem:$0xE900] =	vst v63  }
0x1e: {  	s30 =	sadd.s32 $0x1, s30;
	_ =	swait.ge [sflag:s12], $0x620  }
0x1f: {  	p0 =	sne.s32 s30, s11;
	[sflag:s12] =	ssyncset.done $0x0  }
.Ltmp1:
0x20: {  	s31 =	simm.s32 $0xE280;
	[sflag:s12] =	ssyncadd.s32 $0xFFFFF9E0;
	(pc) =	sbr.rel @!p0 .LBB2_44-.Ltmp1, $4  }
0x21: {  	[hbm4b:s10+s5] =	stream.linear.scatter [tilespmem:s31], [sflag:$0x5], $0x620, $0x38;
	[tilespmem:$0xE900] =	vst v63  }
0x22: {  	_ =	swait.ge [sflag:s12], $0x620  }
0x23: {  	[sflag:s12] =	ssyncset.done $0x0  }
0x24: {  	[sflag:s12] =	ssyncadd.s32 $0xFFFFF9E0  }
.LBB2_1:
0x25: {  	v19 =	vadd.s32 s5, v2  }
0x26: {  	[tilespmem:s5], [sflag:$0x5] =	stream.linear.gather [hbm4b:s6+s5], $0x710, $0x38;
	v20 =	vor.u32 s5, v0;
	[tilespmem:$0xE900] =	vst v63  }
0x27: {  	_ =	swait.ge [sflag:s12], $0x710  }
0x28: {  	[sflag:s12] =	ssyncset.done $0x0  }
0x29: {  	[sflag:s12] =	ssyncadd.s32 $0xFFFFF8F0  }
0x2a: {  	v21 =	vld.idx.msk [tilespmem:v19+s5+$0x0], $0xffff  }
0x2b: {  	v22 =	vld.idx.msk [tilespmem:v20+s5+$0x0], $0xffff  }
0x2c: {  	s3 =	simm.s32 $0x10  }
0x2d: {  	v23 =	vadd.s32 s3, v2  }
0x2e: {  	v24 =	vor.u32 s3, v0;
	_ =	sdelay $0x1  }
0x2f: {  	v20 =	vld [tilespmem:$0x0];
	v21 =	vsub.s32 v21, v22  }
0x30: {  	v19 =	vld [tilespmem:$0x620];
	[tilespmem:s13+$0x0] =	vst v21  }
0x31: {  	v23 =	vld.idx.msk [tilespmem:v23+s5+$0x0], $0xffff  }
0x32: {  	v24 =	vld.idx.msk [tilespmem:v24+s5+$0x0], $0xffff  }
0x33: {  	s31 =	simm.s32 $0x20  }
0x34: {  	v21 =	vadd.s32 s31, v2  }
0x35: {  	s4 =	simm.s32 $0x30;
	s3 =	simm.s32 $0x780;
	v22 =	vor.u32 s31, v0  }
.LBB2_2:
0x36: {  	p0 =	sne.s32 s4, $0x6F0  }
0x37: {  	v23 =	vsub.s32 v23, v24;
	s3 =	sadd.s32 $0x10, s3  }
0x38: {  	s31 =	simm.s32 $0x0;
	[tilespmem:s3+$0x0] =	vst v23  }
0x39: {  	v23 =	vld.idx.msk [tilespmem:v21+s31+$0x0], $0xffff  }
.Ltmp2:
0x3a: {  	v24 =	vld.idx.msk [tilespmem:v22+s31+$0x0], $0xffff;
	(pc) =	sbr.rel @p0 .LBB2_2-.Ltmp2, $3  }
0x3b: {  	_ =	sdelay $0x1  }
0x3c: {  	v21 =	vadd.s32 s4, v2  }
0x3d: {  	v22 =	vor.u32 s4, v0;
	s4 =	sadd.s32 $0x10, s4  }
0x3e: {  	_ =	sdelay $0x1  }
0x3f: {  	v23 =	vsub.s32 v23, v24;
	s3 =	sadd.s32 $0x10, s3  }
0x40: {  	[tilespmem:s3+$0x0] =	vst v23  }
0x41: {  	v21 =	vld.idx.msk [tilespmem:v21+s31+$0x0], $0xffff  }
0x42: {  	v22 =	vld.idx.msk [tilespmem:v22+s31+$0x0], $0xffff  }
0x43: {  	p2 =	por $0x1, $0x1  }
.Ltmp3:
0x44: {  	_ = 	snop;
	(pc) =	sbr.rel @!p2 .LBB2_4-.Ltmp3, $3  }
0x45: {  	_ =	sdelay $0x1  }
0x46: {  	p0 =	por $0x0, $0x0;
	s4 =	sadd.s32 $0x10, s3;
	v21 =	vsub.s32 v21, v22  }
0x47: {  	v24 =	vor.u32 s31, v1;
	p1 =	por $0x0, $0x0;
	s3 =	simm.s32 $0xE80;
	[tilespmem:s4+$0x0] =	vst v21;
	v21 =	vor.u32 s31, v4;
	s4 =	simm.s32 $0x100  }
0x48: {  	v22 =	vand.u32 v3, v24;
	_ =	sdelay $0x1  }
0x49: {  	v23 =	vor.u32 s31, v5;
	_ =	sdelay $0x1  }
0x4a: {  	v21 =	vld.idx.msk [tilespmem:v21+s13+$0x0], $0xffff;
	v24 =	vor.u32 s31, v6  }
0x4b: {  	v22 =	vld.idx.msk [tilespmem:v22+s13+$0x0], $0xffff  }
0x4c: {  	v25 =	vor.u32 s31, v7  }
0x4d: {  	v23 =	vld.idx.msk [tilespmem:v23+s13+$0x0], $0xffff  }
0x4e: {  	v26 =	vor.u32 s31, v8  }
0x4f: {  	v24 =	vld.idx.msk [tilespmem:v24+s13+$0x0], $0xffff  }
0x50: {  	v27 =	vor.u32 s31, v9;
	vm0 =	vgt.s32 v22, v21  }
0x51: {  	v25 =	vld.idx.msk [tilespmem:v25+s13+$0x0], $0xffff;
	v21 =	vsel vm0, v22, v21  }
0x52: {  	v22 =	vor.u32 s31, v10;
	vm0 =	vgt.s32 v21, v23  }
0x53: {  	v26 =	vld.idx.msk [tilespmem:v26+s13+$0x0], $0xffff;
	v21 =	vsel vm0, v21, v23  }
0x54: {  	v23 =	vor.u32 s31, v11;
	vm0 =	vgt.s32 v21, v24  }
0x55: {  	v27 =	vld.idx.msk [tilespmem:v27+s13+$0x0], $0xffff;
	v21 =	vsel vm0, v21, v24  }
0x56: {  	v24 =	vor.u32 s31, v12;
	vm0 =	vgt.s32 v21, v25  }
0x57: {  	v22 =	vld.idx.msk [tilespmem:v22+s13+$0x0], $0xffff;
	v21 =	vsel vm0, v21, v25  }
0x58: {  	v25 =	vor.u32 s31, v13;
	vm0 =	vgt.s32 v21, v26  }
0x59: {  	v23 =	vld.idx.msk [tilespmem:v23+s13+$0x0], $0xffff;
	v21 =	vsel vm0, v21, v26  }
0x5a: {  	v26 =	vor.u32 s31, v14;
	vm0 =	vgt.s32 v21, v27  }
0x5b: {  	v24 =	vld.idx.msk [tilespmem:v24+s13+$0x0], $0xffff;
	v21 =	vsel vm0, v21, v27  }
0x5c: {  	v27 =	vor.u32 s31, v15;
	vm0 =	vgt.s32 v21, v22  }
0x5d: {  	v25 =	vld.idx.msk [tilespmem:v25+s13+$0x0], $0xffff;
	v21 =	vsel vm0, v21, v22  }
0x5e: {  	v22 =	vor.u32 s31, v16;
	vm0 =	vgt.s32 v21, v23  }
0x5f: {  	v26 =	vld.idx.msk [tilespmem:v26+s13+$0x0], $0xffff;
	v21 =	vsel vm0, v21, v23  }
0x60: {  	v23 =	vor.u32 s31, v17;
	vm0 =	vgt.s32 v21, v24  }
0x61: {  	v27 =	vld.idx.msk [tilespmem:v27+s13+$0x0], $0xffff;
	v21 =	vsel vm0, v21, v24  }
0x62: {  	vm0 =	vgt.s32 v21, v25  }
0x63: {  	v24 =	vld.idx.msk [tilespmem:v22+s13+$0x0], $0xffff;
	v21 =	vsel vm0, v21, v25  }
0x64: {  	vm0 =	vgt.s32 v21, v26  }
0x65: {  	v28 =	vor.u32 s31, v18;
	p2 =	por $0x1, $0x1;
	v22 =	vld.idx.msk [tilespmem:v23+s13+$0x0], $0xffff;
	v21 =	vsel vm0, v21, v26  }
.Ltmp4:
0x66: {  	vm0 =	vgt.s32 v21, v27;
	(pc) =	sbr.rel @!p2 .LBB2_6-.Ltmp4, $4  }
0x67: {  	v21 =	vsel vm0, v21, v27  }
0x68: {  	vm0 =	vgt.s32 v21, v24  }
0x69: {  	v25 =	vsel vm0, v21, v24  }
0x6a: {  	p0 =	por $0x1, $0x1;
	s31 =	simm.s32 $0x200;
	v23 =	vld.idx.msk [tilespmem:v28+s13+$0x0], $0xffff;
	v24 =	vor.u32 s4, v1;
	v21 =	vor.u32 s4, v4;
	vm0 =	vgt.s32 v25, v22  }
0x6b: {  	_ =	sdelay $0x2  }
0x6c: {  	v24 =	vand.u32 v3, v24;
	v22 =	vsel vm0, v25, v22  }
0x6d: {  	vm0 =	vgt.s32 v22, v23  }
0x6e: {  	v25 =	vor.u32 s4, v5;
	v22 =	vsel vm0, v22, v23  }
0x6f: {  	[tilespmem:s3+$0x0] =	vst v22  }
0x70: {  	v22 =	vor.u32 s4, v6;
	v21 =	vld.idx.msk [tilespmem:v21+s13+$0x0], $0xffff  }
0x71: {  	v23 =	vld.idx.msk [tilespmem:v24+s13+$0x0], $0xffff  }
0x72: {  	v24 =	vor.u32 s4, v7  }
0x73: {  	v25 =	vld.idx.msk [tilespmem:v25+s13+$0x0], $0xffff  }
0x74: {  	v26 =	vor.u32 s4, v8  }
0x75: {  	v22 =	vld.idx.msk [tilespmem:v22+s13+$0x0], $0xffff  }
0x76: {  	v27 =	vor.u32 s4, v9;
	vm0 =	vgt.s32 v23, v21  }
0x77: {  	v24 =	vld.idx.msk [tilespmem:v24+s13+$0x0], $0xffff;
	v21 =	vsel vm0, v23, v21  }
0x78: {  	v23 =	vor.u32 s4, v10;
	vm0 =	vgt.s32 v21, v25  }
0x79: {  	v26 =	vld.idx.msk [tilespmem:v26+s13+$0x0], $0xffff;
	v21 =	vsel vm0, v21, v25  }
0x7a: {  	v25 =	vor.u32 s4, v11;
	vm0 =	vgt.s32 v21, v22  }
0x7b: {  	v27 =	vld.idx.msk [tilespmem:v27+s13+$0x0], $0xffff;
	v21 =	vsel vm0, v21, v22  }
0x7c: {  	v22 =	vor.u32 s4, v12;
	vm0 =	vgt.s32 v21, v24  }
0x7d: {  	v23 =	vld.idx.msk [tilespmem:v23+s13+$0x0], $0xffff;
	v21 =	vsel vm0, v21, v24  }
0x7e: {  	v24 =	vor.u32 s4, v13;
	vm0 =	vgt.s32 v21, v26  }
0x7f: {  	v25 =	vld.idx.msk [tilespmem:v25+s13+$0x0], $0xffff;
	v21 =	vsel vm0, v21, v26  }
0x80: {  	v26 =	vor.u32 s4, v14;
	vm0 =	vgt.s32 v21, v27  }
0x81: {  	v22 =	vld.idx.msk [tilespmem:v22+s13+$0x0], $0xffff;
	v21 =	vsel vm0, v21, v27  }
0x82: {  	v27 =	vor.u32 s4, v15;
	vm0 =	vgt.s32 v21, v23  }
0x83: {  	v24 =	vld.idx.msk [tilespmem:v24+s13+$0x0], $0xffff;
	v21 =	vsel vm0, v21, v23  }
0x84: {  	v23 =	vor.u32 s4, v16;
	vm0 =	vgt.s32 v21, v25  }
0x85: {  	v26 =	vld.idx.msk [tilespmem:v26+s13+$0x0], $0xffff;
	v21 =	vsel vm0, v21, v25  }
0x86: {  	vm0 =	vgt.s32 v21, v22  }
0x87: {  	v27 =	vld.idx.msk [tilespmem:v27+s13+$0x0], $0xffff;
	v21 =	vsel vm0, v21, v22  }
0x88: {  	v25 =	vor.u32 s4, v17;
	vm0 =	vgt.s32 v21, v24  }
0x89: {  	v23 =	vld.idx.msk [tilespmem:v23+s13+$0x0], $0xffff;
	v21 =	vsel vm0, v21, v24  }
0x8a: {  	v24 =	vor.u32 s4, v18;
	vm0 =	vgt.s32 v21, v26  }
0x8b: {  	v21 =	vsel vm0, v21, v26  }
0x8c: {  	vm0 =	vgt.s32 v21, v27  }
0x8d: {  	p2 =	por $0x1, $0x1;
	v22 =	vld.idx.msk [tilespmem:v25+s13+$0x0], $0xffff;
	v21 =	vsel vm0, v21, v27  }
.Ltmp5:
0x8e: {  	vm0 =	vgt.s32 v21, v23;
	(pc) =	sbr.rel @!p2 .LBB2_8-.Ltmp5, $2  }
0x8f: {  	v25 =	vsel vm0, v21, v23;
	v23 =	vld.idx.msk [tilespmem:v24+s13+$0x0], $0xffff;
	_ =	sdelay $0x2  }
0x90: {  	s25 =	simm.s32 $0x300;
	p1 =	por $0x1, $0x1;
	s4 =	simm.s32 $0xE80;
	v24 =	vor.u32 s31, v1;
	v21 =	vor.u32 s31, v4;
	vm0 =	vgt.s32 v25, v22  }
.LBB2_9:
0x91: {  	p2 =	sne.s32 s25, $0x600;
	v24 =	vand.u32 v3, v24;
	v22 =	vsel vm0, v25, v22  }
0x92: {  	vm0 =	vgt.s32 v22, v23  }
0x93: {  	v25 =	vor.u32 s31, v5;
	s4 =	sadd.s32 $0x10, s4;
	v22 =	vsel vm0, v22, v23  }
0x94: {  	[tilespmem:s4+$0x0] =	vst v22  }
0x95: {  	v22 =	vor.u32 s31, v6;
	v21 =	vld.idx.msk [tilespmem:v21+s13+$0x0], $0xffff  }
0x96: {  	v23 =	vld.idx.msk [tilespmem:v24+s13+$0x0], $0xffff  }
0x97: {  	v24 =	vor.u32 s31, v7  }
0x98: {  	v25 =	vld.idx.msk [tilespmem:v25+s13+$0x0], $0xffff  }
0x99: {  	v26 =	vor.u32 s31, v8  }
0x9a: {  	v22 =	vld.idx.msk [tilespmem:v22+s13+$0x0], $0xffff  }
0x9b: {  	v27 =	vor.u32 s31, v9  }
0x9c: {  	vm0 =	vgt.s32 v23, v21;
	v24 =	vld.idx.msk [tilespmem:v24+s13+$0x0], $0xffff  }
0x9d: {  	v21 =	vsel vm0, v23, v21;
	v23 =	vor.u32 s31, v10  }
0x9e: {  	vm0 =	vgt.s32 v21, v25;
	v26 =	vld.idx.msk [tilespmem:v26+s13+$0x0], $0xffff  }
0x9f: {  	v21 =	vsel vm0, v21, v25;
	v25 =	vor.u32 s31, v11  }
0xa0: {  	vm0 =	vgt.s32 v21, v22;
	v27 =	vld.idx.msk [tilespmem:v27+s13+$0x0], $0xffff  }
0xa1: {  	v21 =	vsel vm0, v21, v22;
	v22 =	vor.u32 s31, v12  }
0xa2: {  	vm0 =	vgt.s32 v21, v24;
	v23 =	vld.idx.msk [tilespmem:v23+s13+$0x0], $0xffff  }
0xa3: {  	v21 =	vsel vm0, v21, v24;
	v24 =	vor.u32 s31, v13  }
0xa4: {  	vm0 =	vgt.s32 v21, v26;
	v25 =	vld.idx.msk [tilespmem:v25+s13+$0x0], $0xffff  }
0xa5: {  	v21 =	vsel vm0, v21, v26;
	v26 =	vor.u32 s31, v14  }
0xa6: {  	vm0 =	vgt.s32 v21, v27;
	v22 =	vld.idx.msk [tilespmem:v22+s13+$0x0], $0xffff  }
0xa7: {  	v21 =	vsel vm0, v21, v27;
	v27 =	vor.u32 s31, v15  }
0xa8: {  	vm0 =	vgt.s32 v21, v23;
	v24 =	vld.idx.msk [tilespmem:v24+s13+$0x0], $0xffff  }
0xa9: {  	v21 =	vsel vm0, v21, v23;
	v23 =	vor.u32 s31, v16  }
0xaa: {  	vm0 =	vgt.s32 v21, v25;
	v26 =	vld.idx.msk [tilespmem:v26+s13+$0x0], $0xffff  }
0xab: {  	v21 =	vsel vm0, v21, v25;
	v25 =	vor.u32 s31, v17  }
0xac: {  	vm0 =	vgt.s32 v21, v22;
	v27 =	vld.idx.msk [tilespmem:v27+s13+$0x0], $0xffff  }
0xad: {  	v28 =	vor.u32 s31, v18;
	s31 =	smov.u32 s25;
	v21 =	vsel vm0, v21, v22  }
0xae: {  	vm0 =	vgt.s32 v21, v24;
	v29 =	vld.idx.msk [tilespmem:v23+s13+$0x0], $0xffff  }
0xaf: {  	v21 =	vsel vm0, v21, v24  }
0xb0: {  	vm0 =	vgt.s32 v21, v26;
	v22 =	vld.idx.msk [tilespmem:v25+s13+$0x0], $0xffff  }
0xb1: {  	v21 =	vsel vm0, v21, v26  }
.Ltmp6:
0xb2: {  	vm0 =	vgt.s32 v21, v27;
	v23 =	vld.idx.msk [tilespmem:v28+s13+$0x0], $0xffff;
	(pc) =	sbr.rel @p2 .LBB2_9-.Ltmp6, $4  }
0xb3: {  	v21 =	vsel vm0, v21, v27  }
0xb4: {  	vm0 =	vgt.s32 v21, v29  }
0xb5: {  	v25 =	vsel vm0, v21, v29  }
0xb6: {  	s25 =	sadd.s32 $0x100, s25;
	v24 =	vor.u32 s31, v1;
	v21 =	vor.u32 s31, v4;
	vm0 =	vgt.s32 v25, v22  }
.LBB2_10:
0xb7: {  	v24 =	vand.u32 v3, v24;
	v22 =	vsel @p0 vm0, v25, v22  }
0xb8: {  	s25 =	sadd.s32 @p1 $0x10, s4;
	s4 =	simm.s32 $0xE80;
	vm0 =	vgt.s32 @p0 v22, v23  }
0xb9: {  	v51 =	vor.u32 s31, v5;
	s4 =	smov.u32 @p1 s25;
	v22 =	vsel @p0 vm0, v22, v23  }
0xba: {  	[tilespmem:s4+$0x0] =	vst @p0 v22  }
0xbb: {  	v52 =	vor.u32 s31, v6;
	v21 =	vld.idx.msk [tilespmem:v21+s13+$0x0], $0xffff  }
0xbc: {  	v53 =	vld.idx.msk [tilespmem:v24+s13+$0x0], $0xffff  }
0xbd: {  	v54 =	vor.u32 s31, v7  }
0xbe: {  	v25 =	vld.idx.msk [tilespmem:v51+s13+$0x0], $0xffff  }
0xbf: {  	v26 =	vor.u32 s31, v8  }
0xc0: {  	v22 =	vld.idx.msk [tilespmem:v52+s13+$0x0], $0xffff  }
0xc1: {  	v27 =	vor.u32 s31, v9;
	vm15 =	vgt.s32 v53, v21  }
0xc2: {  	(v2sf) =	vpush v20, $0x0;
	v24 =	vld.idx.msk [tilespmem:v54+s13+$0x0], $0xffff;
	v21 =	vsel vm15, v53, v21  }
0xc3: {  	v55 =	vor.u32 s31, v10;
	vm0 =	vgt.s32 v21, v25  }
0xc4: {  	v26 =	vld.idx.msk [tilespmem:v26+s13+$0x0], $0xffff;
	v21 =	vsel vm0, v21, v25  }
0xc5: {  	v20 =	vor.u32 s31, v11;
	vm0 =	vgt.s32 v21, v22  }
0xc6: {  	v56 =	vld.idx.msk [tilespmem:v27+s13+$0x0], $0xffff;
	v21 =	vsel vm0, v21, v22  }
0xc7: {  	v57 =	vor.u32 s31, v12;
	vm0 =	vgt.s32 v21, v24  }
0xc8: {  	v23 =	vld.idx.msk [tilespmem:v55+s13+$0x0], $0xffff;
	v21 =	vsel vm0, v21, v24  }
0xc9: {  	v58 =	vor.u32 s31, v13;
	(v2sf) =	vpush v19, $0x0;
	vm0 =	vgt.s32 v21, v26  }
0xca: {  	v20 =	vld.idx.msk [tilespmem:v20+s13+$0x0], $0xffff;
	v21 =	vsel vm0, v21, v26  }
0xcb: {  	v59 =	vor.u32 s31, v14;
	vm0 =	vgt.s32 v21, v56  }
0xcc: {  	v19 =	vld.idx.msk [tilespmem:v57+s13+$0x0], $0xffff;
	v21 =	vsel vm0, v21, v56  }
0xcd: {  	v60 =	vor.u32 s31, v15;
	vm0 =	vgt.s32 v21, v23  }
0xce: {  	v24 =	vld.idx.msk [tilespmem:v58+s13+$0x0], $0xffff;
	v21 =	vsel vm0, v21, v23  }
0xcf: {  	v61 =	vor.u32 s31, v16;
	vm0 =	vgt.s32 v21, v20  }
0xd0: {  	v62 =	vld.idx.msk [tilespmem:v59+s13+$0x0], $0xffff;
	v20 =	vsel vm0, v21, v20  }
0xd1: {  	v63 =	vor.u32 s31, v17;
	s29 =	spop (v2sf);
	vm0 =	vgt.s32 v20, v19  }
0xd2: {  	v22 =	vld.idx.msk [tilespmem:v60+s13+$0x0], $0xffff;
	s26 =	sand.u32 $0x7, s29;
	v19 =	vsel vm0, v20, v19  }
0xd3: {  	s28 =	sshra.s32 s29, $0x1F;
	p4 =	slt.s32 s29, $0x1;
	p2 =	sne.s32 s26, $0x0;
	v20 =	vor.u32 s31, v18;
	vm0 =	vgt.s32 v19, v24  }
0xd4: {  	s21 =	sshrl.u32 s28, $0x1D;
	p1 =	por !p4, !p2;
	v23 =	vld.idx.msk [tilespmem:v61+s13+$0x0], $0xffff;
	v19 =	vsel vm0, v19, v24  }
0xd5: {  	s26 =	simm.s32 $0x1;
	s25 =	sadd.s32 s21, s29;
	p1 =	por !p1, !p1;
	vm0 =	vgt.s32 v19, v62  }
0xd6: {  	s25 =	sshra.s32 s25, $0x3;
	s26 =	simm.s32 @!p1 $0x0;
	v21 =	vld.idx.msk [tilespmem:v63+s13+$0x0], $0xffff;
	v19 =	vsel vm0, v19, v62  }
0xd7: {  	s25 =	ssub.s32 s25, s26;
	vm0 =	vgt.s32 v19, v22  }
0xd8: {  	s28 =	spop (v2sf);
	s31 =	sshll.u32 s25, $0x3;
	v20 =	vld.idx.msk [tilespmem:v20+s13+$0x0], $0xffff;
	v19 =	vsel vm0, v19, v22  }
0xd9: {  	s26 =	ssub.s32 s28, s31;
	vm0 =	vgt.s32 v19, v23  }
0xda: {  	s4 =	sadd.s32 @p0 $0x10, s4;
	s26 =	sadd.s32 $0x1FFF, s26;
	v19 =	vsel vm0, v19, v23  }
0xdb: {  	s3 =	smov.u32 @p0 s4;
	s21 =	sand.u32 $0x1FFF, s26;
	vm0 =	vgt.s32 v19, v21  }
0xdc: {  	s29 =	sshra.s32 s26, $0x1F;
	p5 =	slt.s32 s26, $0x1;
	p6 =	sne.s32 s21, $0x0;
	v19 =	vsel vm0, v19, v21  }
0xdd: {  	s25 =	sand.u32 $0x1FFFFFFF, s25;
	s4 =	sshrl.u32 s29, $0x13;
	p0 =	por !p5, !p6;
	vm0 =	vgt.s32 v19, v20  }
0xde: {  	s29 =	sadd.s32 s4, s26;
	s4 =	simm.s32 $0x1;
	p0 =	por !p0, !p0;
	v19 =	vsel vm0, v19, v20  }
0xdf: {  	s28 =	sadd.s32 s0, s25;
	s4 =	simm.s32 @!p0 $0x0;
	[tilespmem:s3+$0x0] =	vst v19;
	s3 =	sshra.s32 s29, $0xD  }
0xe0: {  	[tilespmem:s15], [sflag:$0x5] =	stream.linear.gather [hbm4b:s28+s5], $0x2000, $0x38;
	[tilespmem:$0xE900] =	vst v63  }
0xe1: {  	s3 =	ssub.s32 s3, s4;
	_ =	swait.ge [sflag:s12], $0x2000  }
0xe2: {  	p0 =	slt.s32 s3, $0x2;
	[sflag:s12] =	ssyncset.done $0x0  }
0xe3: {  	s4 =	sadd.s32 @!p0 $0x2000, s31;
	[sflag:s12] =	ssyncadd.s32 $0xFFFFE000  }
0xe4: {  	[tilespmem:s17], [sflag:$0x1] =	stream.indirect.gather [hbm4b:s1+s16], $0x1, s15, s16, $0xb8;
	[tilespmem:$0xE900] =	vst v63  }
0xe5: {  	s4 =	sshrl.u32 @!p0 s4, $0x3  }
0xe6: {  	[tilespmem:s18], [sflag:$0x2] =	stream.indirect.gather [hbm4b:s2+s16], $0x1, s15, s16, $0xb8;
	[tilespmem:$0xE900] =	vst v63  }
0xe7: {  	s25 =	simm.s32 @!p0 $0x0;
	s26 =	simm.s32 @!p0 $0x6F00;
	s4 =	sadd.s32 @!p0 s0, s4  }
0xe8: {  	[tilespmem:s26], [sflag:$0x5] =	stream.linear.gather @!p0 [hbm4b:s4+s25], $0x2000, $0x38;
	[tilespmem:$0xE900] =	vst v63  }
0xe9: {  	s4 =	simm.s32 @!p0 $0x5  }
0xea: {  	_ =	swait.ge @!p0 [sflag:s4], $0x2000  }
0xeb: {  	[sflag:s4] =	ssyncset.done @!p0 $0x0  }
0xec: {  	s25 =	simm.s32 @!p0 $0x8F00;
	[sflag:s4] =	ssyncadd.s32 @!p0 $0xFFFFE000;
	s4 =	simm.s32 @!p0 $0x2000  }
0xed: {  	[tilespmem:s25], [sflag:$0x3] =	stream.indirect.gather @!p0 [hbm4b:s1+s4], $0x1, s26, s4, $0xb8;
	[tilespmem:$0xE900] =	vst v63  }
0xee: {  	s25 =	simm.s32 @!p0 $0xAF00  }
0xef: {  	[tilespmem:s25], [sflag:$0x4] =	stream.indirect.gather @!p0 [hbm4b:s2+s4], $0x1, s26, s4, $0xb8;
	[tilespmem:$0xE900] =	vst v63  }
0xf0: {  	_ =	swait.ge [sflag:s14], $0x2000  }
.Ltmp7:
0xf1: {  	[sflag:s14] =	ssyncset.done $0x0;
	(pc) =	sbr.rel .LBB2_11-.Ltmp7, $4  }
0xf2: {  	[sflag:s14] =	ssyncadd.s32 $0xFFFFE000  }
0xf3: {  	_ =	swait.ge [sflag:s19], $0x2000  }
0xf4: {  	[sflag:s19] =	ssyncset.done $0x0  }
0xf5: {  	v19 =	vmov s31;
	s4 =	simm.s32 $0x0;
	[sflag:s19] =	ssyncadd.s32 $0xFFFFE000  }
.LBB2_12:
0xf6: {  	v25 =	vimm.f32 $+Inf;
	v24 =	vimm.f32 $-Inf  }
.LBB2_19:
0xf7: {  	s4 =	sadd.s32 $0x1, s4  }
0xf8: {  	vm0 =	vgt.s32 v21, v20;
	p1 =	sne.s32 s4, $0x62  }
.Ltmp8:
0xf9: {  	v20 =	vnsel vm0, $0x7F800000, v22;
	(pc) =	sbr.rel @!p1 .LBB2_20-.Ltmp8, $4  }
0xfa: {  	v21 =	vnsel vm0, $0xFF800000, v23;
	[tilespmem:s25+$0xCF00] =	vst v20  }
0xfb: {  	v63 =	vnsel vm0, $0xFF800000, v24;
	[tilespmem:s25+$0xD580] =	vst v21  }
0xfc: {  	v20 =	vnsel vm0, $0x7F800000, v25;
	[tilespmem:s25+$0xE280] =	vst v63  }
0xfd: {  	[tilespmem:s25+$0xDC00] =	vst v20  }
.LBB2_11:
0xfe: {  	v20 =	vmov s4;
	_ =	sdelay $0x4  }
0xff: {  	v20 =	vld.idx.msk [tilespmem:v20+s20+$0x0], $0xffff;
	_ =	sdelay $0x4  }
0x100: {  	(v2sf) =	vpush v20, $0x0;
	_ =	sdelay $0xd  }
0x101: {  	s25 =	sshll.u32 s4, $0x4  }
0x102: {  	v21 =	vadd.s32 s25, v2;
	s26 =	spop (v2sf)  }
0x103: {  	v20 =	vor.u32 s25, v0;
	s26 =	sadd.s32 $0x3, s26  }
0x104: {  	s28 =	sand.u32 $0x3, s26  }
0x105: {  	s29 =	sshra.s32 s26, $0x1F;
	p2 =	slt.s32 s26, $0x1;
	p1 =	sne.s32 s28, $0x0  }
0x106: {  	s28 =	sshrl.u32 s29, $0x1E;
	p1 =	por !p2, !p1  }
0x107: {  	v21 =	vld.idx.msk [tilespmem:v21+s5+$0x0], $0xffff;
	s26 =	sadd.s32 s28, s26;
	s28 =	simm.s32 $0x1;
	p1 =	por !p1, !p1  }
0x108: {  	v20 =	vld.idx.msk [tilespmem:v20+s5+$0x0], $0xffff;
	s26 =	sshra.s32 s26, $0x2;
	s28 =	simm.s32 @!p1 $0x0  }
0x109: {  	s26 =	ssub.s32 s26, s28  }
0x10a: {  	p1 =	slt.s32 s26, $0x1  }
.Ltmp9:
0x10b: {  	_ = 	snop;
	(pc) =	sbr.rel @p1 .LBB2_12-.Ltmp9, $4  }
0x10c: {  	_ = 	snop  }
0x10d: {  	v21 =	vsub.s32 v21, v19;
	v20 =	vsub.s32 v20, v19  }
0x10e: {  	v22 =	vimm.f32 $+Inf;
	vm15 =	vlt.s32 v21, $0x2000;
	vm0 =	vgt.s32 v20, $0x0  }
0x10f: {  	v23 =	vimm.f32 $-Inf;
	v21 =	vnsel vm15, $0x2000, v21;
	v20 =	vnsel vm0, $0x0, v20  }
0x110: {  	v24 =	vadd.s32 $0xFFFFFFFF, v21;
	p2 =	sne.s32 s26, $0x1  }
.Ltmp10:
0x111: {  	s28 =	simm.s32 $0x0;
	vm0 =	vgt.s32 v24, $0x0;
	(pc) =	sbr.rel @!p2 .LBB2_14-.Ltmp10, $4  }
0x112: {  	v26 =	vnsel vm0, $0x0, v24;
	v24 =	vadd.s32 s28, v20;
	s28 =	simm.s32 $0x1  }
0x113: {  	vm0 =	vlt.s32 v24, v26;
	v25 =	vadd.s32 s28, v20;
	s28 =	simm.s32 $0x2  }
0x114: {  	s29 =	simm.s32 $0x3;
	v24 =	vsel vm0, v24, v26;
	vm0 =	vlt.s32 v25, v26;
	v39 =	vadd.s32 s28, v20  }
0x115: {  	p1 =	por $0x0, $0x0;
	v32 =	vadd.s32 s29, v20;
	s28 =	sadd.s32 $0xFFFFFFFF, s26;
	v25 =	vsel vm0, v25, v26;
	vm0 =	vlt.s32 v39, v26  }
0x116: {  	_ =	sdelay $0x1  }
0x117: {  	v35 =	vsel vm0, v39, v26;
	vm0 =	vlt.s32 v32, v26  }
0x118: {  	v30 =	vsel vm0, v32, v26  }
0x119: {  	v31 =	vld.idx.msk [tilespmem:v24+s17+$0x0], $0xffff  }
0x11a: {  	s29 =	simm.s32 $0x4;
	v27 =	vld.idx.msk [tilespmem:v25+s17+$0x0], $0xffff;
	p2 =	sne.s32 s28, $0x1  }
.Ltmp11:
0x11b: {  	s21 =	simm.s32 $0x5;
	v33 =	vld.idx.msk [tilespmem:v24+s18+$0x0], $0xffff;
	v29 =	vadd.s32 s29, v20;
	(pc) =	sbr.rel @!p2 .LBB2_16-.Ltmp11, $4  }
0x11c: {  	v37 =	vimm.f32 $+Inf;
	v36 =	vadd.s32 s21, v20;
	vm0 =	vlt.s32 v29, v26;
	v28 =	vld.idx.msk [tilespmem:v35+s17+$0x0], $0xffff  }
0x11d: {  	s26 =	simm.s32 $0x7;
	v38 =	vimm.f32 $-Inf;
	s21 =	simm.s32 $0x6;
	v24 =	vsel vm0, v29, v26;
	vm0 =	vlt.s32 v36, v26;
	v29 =	vld.idx.msk [tilespmem:v30+s17+$0x0], $0xffff  }
0x11e: {  	v34 =	vld.idx.msk [tilespmem:v25+s18+$0x0], $0xffff;
	v32 =	vadd.s32 s26, v20;
	v39 =	vadd.s32 s21, v20;
	v25 =	vsel vm0, v36, v26  }
0x11f: {  	s28 =	sadd.s32 $0xFFFFFFFF, s28;
	p1 =	por $0x1, $0x1;
	vm0 =	vlt.s32 v39, v26;
	v36 =	vimm.f32 $-Inf;
	v40 =	vmin.f32 v22, v31;
	v35 =	vld.idx.msk [tilespmem:v35+s18+$0x0], $0xffff  }
.LBB2_17:
0x120: {  	p2 =	sne.s32 s28, $0x1;
	v41 =	vsel vm0, v39, v26;
	vm0 =	vlt.s32 v32, v26;
	s26 =	sadd.s32 $0x4, s26;
	v39 =	vmin.f32 v40, v27;
	v40 =	vld.idx.msk [tilespmem:v30+s18+$0x0], $0xffff  }
0x121: {  	s29 =	sadd.s32 $0xFFFFFFFD, s26;
	v30 =	vsel vm0, v32, v26;
	v32 =	vmin.f32 v39, v28  }
0x122: {  	v39 =	vadd.s32 s29, v20;
	v42 =	vmin.f32 v32, v29  }
0x123: {  	v32 =	vmax.f32 v36, v31;
	v36 =	vmin.f32 v37, v33;
	v33 =	vmax.f32 v38, v33;
	v31 =	vld.idx.msk [tilespmem:v24+s17+$0x0], $0xffff  }
0x124: {  	v32 =	vmax.f32 v32, v27;
	v36 =	vmin.f32 v36, v34;
	v33 =	vmax.f32 v33, v34;
	v27 =	vld.idx.msk [tilespmem:v25+s17+$0x0], $0xffff  }
.Ltmp12:
0x125: {  	v32 =	vmax.f32 v32, v28;
	v34 =	vmin.f32 v36, v35;
	v33 =	vmax.f32 v33, v35;
	v28 =	vld.idx.msk [tilespmem:v41+s17+$0x0], $0xffff;
	(pc) =	sbr.rel @p2 .LBB2_17-.Ltmp12, $4  }
0x126: {  	s29 =	sadd.s32 $0xFFFFFFFE, s26;
	v36 =	vmax.f32 v32, v29;
	v37 =	vmin.f32 v34, v40;
	v38 =	vmax.f32 v33, v40;
	v29 =	vld.idx.msk [tilespmem:v30+s17+$0x0], $0xffff  }
0x127: {  	vm0 =	vlt.s32 v39, v26;
	v35 =	vadd.s32 s29, v20;
	s29 =	sadd.s32 $0xFFFFFFFF, s26;
	v32 =	vadd.s32 s26, v20;
	v33 =	vld.idx.msk [tilespmem:v24+s18+$0x0], $0xffff  }
0x128: {  	v24 =	vsel vm0, v39, v26;
	vm0 =	vlt.s32 v35, v26;
	v39 =	vadd.s32 s29, v20;
	v34 =	vld.idx.msk [tilespmem:v25+s18+$0x0], $0xffff  }
0x129: {  	s28 =	sadd.s32 $0xFFFFFFFF, s28;
	v25 =	vsel vm0, v35, v26;
	vm0 =	vlt.s32 v39, v26;
	v40 =	vmin.f32 v42, v31;
	v35 =	vld.idx.msk [tilespmem:v41+s18+$0x0], $0xffff  }
.LBB2_18:
0x12a: {  	_ =	sdelay $0x3  }
0x12b: {  	v39 =	vsel vm0, v39, v26;
	v30 =	vld.idx.msk @p1 [tilespmem:v30+s18+$0x0], $0xffff  }
0x12c: {  	vm15 =	vlt.s32 v32, v26;
	v57 =	vld.idx.msk [tilespmem:v24+s17+$0x0], $0xffff  }
0x12d: {  	v40 =	vmin.f32 @p1 v40, v27;
	v31 =	vmax.f32 @p1 v36, v31;
	v58 =	vld.idx.msk [tilespmem:v25+s17+$0x0], $0xffff;
	v26 =	vsel vm15, v32, v26  }
0x12e: {  	v24 =	vld.idx.msk [tilespmem:v24+s18+$0x0], $0xffff;
	v40 =	vmin.f32 @p1 v40, v28;
	v27 =	vmax.f32 @p1 v31, v27;
	v37 =	vmin.f32 @p1 v37, v33  }
0x12f: {  	v25 =	vld.idx.msk [tilespmem:v25+s18+$0x0], $0xffff;
	v33 =	vmax.f32 @p1 v38, v33;
	v40 =	vmin.f32 @p1 v40, v29;
	v27 =	vmax.f32 @p1 v27, v28  }
0x130: {  	v31 =	vmin.f32 @p1 v37, v34;
	v33 =	vmax.f32 @p1 v33, v34;
	v61 =	vpsel p1, v40, v22;
	v59 =	vld.idx.msk [tilespmem:v39+s17+$0x0], $0xffff  }
0x131: {  	v27 =	vmax.f32 @p1 v27, v29;
	v31 =	vmin.f32 @p1 v31, v35;
	v33 =	vmax.f32 @p1 v33, v35;
	v62 =	vld.idx.msk [tilespmem:v39+s18+$0x0], $0xffff  }
0x132: {  	v27 =	vpsel p1, v27, v23;
	v28 =	vmin.f32 v61, v57;
	v29 =	vmin.f32 @p1 v31, v30;
	v60 =	vld.idx.msk [tilespmem:v26+s17+$0x0], $0xffff  }
0x133: {  	v30 =	vmax.f32 @p1 v33, v30;
	v27 =	vmax.f32 v27, v57;
	v29 =	vpsel p1, v29, v22;
	v26 =	vld.idx.msk [tilespmem:v26+s18+$0x0], $0xffff  }
.Ltmp13:
0x134: {  	v28 =	vmin.f32 v28, v58;
	v23 =	vpsel p1, v30, v23;
	v63 =	vmin.f32 v29, v24;
	(pc) =	sbr.rel .LBB2_19-.Ltmp13, $4  }
0x135: {  	v23 =	vmax.f32 v23, v24;
	v24 =	vmax.f32 v27, v58;
	v27 =	vmin.f32 v63, v25  }
0x136: {  	v23 =	vmax.f32 v23, v25;
	v22 =	vmin.f32 v28, v59;
	v24 =	vmax.f32 v24, v59  }
0x137: {  	v25 =	vmin.f32 v27, v62;
	v27 =	vmax.f32 v23, v62;
	v22 =	vmin.f32 v22, v60  }
0x138: {  	v23 =	vmax.f32 v24, v60;
	v25 =	vmin.f32 v25, v26;
	v24 =	vmax.f32 v27, v26  }
.LBB2_14:
.Ltmp14:
0x139: {  	(pc) =	sbr.rel .LBB2_18-.Ltmp14, $2  }
0x13a: {  	_ =	sdelay $0x2  }
0x13b: {  	v36 =	vimm.f32 $-Inf;
	v37 =	vimm.f32 $+Inf;
	v38 =	vimm.f32 $-Inf  }
.LBB2_16:
.Ltmp15:
0x13c: {  	(pc) =	sbr.rel .LBB2_18-.Ltmp15, $2  }
0x13d: {  	_ =	sdelay $0x2  }
0x13e: {  	v36 =	vimm.f32 $-Inf;
	v37 =	vimm.f32 $+Inf;
	v38 =	vimm.f32 $-Inf  }
.LBB2_20:
.Ltmp16:
0x13f: {  	(pc) =	sbr.rel @p0 .LBB2_43-.Ltmp16, $1  }
0x140: {  	_ =	sdelay $0x3  }
0x141: {  	s4 =	simm.s32 $0x3  }
0x142: {  	_ =	swait.ge [sflag:s4], $0x2000  }
.Ltmp17:
0x143: {  	[sflag:s4] =	ssyncset.done $0x0;
	(pc) =	sbr.rel .LBB2_22-.Ltmp17, $4  }
0x144: {  	[sflag:s4] =	ssyncadd.s32 $0xFFFFE000  }
0x145: {  	_ =	swait.ge [sflag:s22], $0x2000  }
0x146: {  	s29 =	sadd.s32 $0x2000, s31;
	[sflag:s22] =	ssyncset.done $0x0  }
0x147: {  	v19 =	vmov s29;
	s4 =	simm.s32 $0x0;
	[sflag:s22] =	ssyncadd.s32 $0xFFFFE000  }
.LBB2_23:
0x148: {  	v25 =	vimm.f32 $+Inf;
	v24 =	vimm.f32 $-Inf  }
.LBB2_30:
0x149: {  	v26 =	vld [tilespmem:s25+$0xCF00]  }
0x14a: {  	v27 =	vld [tilespmem:s25+$0xD580]  }
0x14b: {  	v28 =	vld [tilespmem:s25+$0xDC00]  }
0x14c: {  	v29 =	vld [tilespmem:s25+$0xE280]  }
0x14d: {  	s4 =	sadd.s32 $0x1, s4  }
0x14e: {  	vm0 =	vgt.s32 v21, v20;
	p0 =	sne.s32 s4, $0x62;
	v20 =	vmin.f32 v26, v22  }
.Ltmp18:
0x14f: {  	v61 =	vmax.f32 v27, v23;
	v20 =	vsel vm0, v20, v26;
	(pc) =	sbr.rel @!p0 .LBB2_31-.Ltmp18, $4  }
0x150: {  	v62 =	vmin.f32 v28, v25;
	[tilespmem:s25+$0xCF00] =	vst v20;
	v20 =	vsel vm0, v61, v27  }
0x151: {  	v63 =	vmax.f32 v29, v24;
	[tilespmem:s25+$0xD580] =	vst v20;
	v20 =	vsel vm0, v62, v28  }
0x152: {  	[tilespmem:s25+$0xDC00] =	vst v20;
	v20 =	vsel vm0, v63, v29  }
0x153: {  	[tilespmem:s25+$0xE280] =	vst v20  }
.LBB2_22:
0x154: {  	v20 =	vmov s4;
	_ =	sdelay $0x4  }
0x155: {  	v20 =	vld.idx.msk [tilespmem:v20+s20+$0x0], $0xffff;
	_ =	sdelay $0x4  }
0x156: {  	(v2sf) =	vpush v20, $0x0;
	_ =	sdelay $0xd  }
0x157: {  	s25 =	sshll.u32 s4, $0x4  }
0x158: {  	v21 =	vadd.s32 s25, v2;
	s26 =	spop (v2sf)  }
0x159: {  	v20 =	vor.u32 s25, v0;
	s26 =	sadd.s32 $0x3, s26  }
0x15a: {  	s28 =	sand.u32 $0x3, s26  }
0x15b: {  	s29 =	sshra.s32 s26, $0x1F;
	p1 =	slt.s32 s26, $0x1;
	p0 =	sne.s32 s28, $0x0  }
0x15c: {  	s28 =	sshrl.u32 s29, $0x1E;
	p0 =	por !p1, !p0  }
0x15d: {  	v21 =	vld.idx.msk [tilespmem:v21+s5+$0x0], $0xffff;
	s26 =	sadd.s32 s28, s26;
	s28 =	simm.s32 $0x1;
	p0 =	por !p0, !p0  }
0x15e: {  	v20 =	vld.idx.msk [tilespmem:v20+s5+$0x0], $0xffff;
	s26 =	sshra.s32 s26, $0x2;
	s28 =	simm.s32 @!p0 $0x0  }
0x15f: {  	s26 =	ssub.s32 s26, s28  }
0x160: {  	p0 =	slt.s32 s26, $0x1  }
.Ltmp19:
0x161: {  	_ = 	snop;
	(pc) =	sbr.rel @p0 .LBB2_23-.Ltmp19, $4  }
0x162: {  	_ = 	snop  }
0x163: {  	v21 =	vsub.s32 v21, v19;
	v20 =	vsub.s32 v20, v19  }
0x164: {  	v22 =	vimm.f32 $+Inf;
	vm15 =	vlt.s32 v21, $0x2000;
	vm0 =	vgt.s32 v20, $0x0  }
0x165: {  	v23 =	vimm.f32 $-Inf;
	v21 =	vnsel vm15, $0x2000, v21;
	v20 =	vnsel vm0, $0x0, v20  }
0x166: {  	v24 =	vadd.s32 $0xFFFFFFFF, v21;
	p1 =	sne.s32 s26, $0x1  }
.Ltmp20:
0x167: {  	s28 =	simm.s32 $0x0;
	vm0 =	vgt.s32 v24, $0x0;
	(pc) =	sbr.rel @!p1 .LBB2_25-.Ltmp20, $4  }
0x168: {  	v26 =	vnsel vm0, $0x0, v24;
	v24 =	vadd.s32 s28, v20;
	s28 =	simm.s32 $0x1  }
0x169: {  	vm0 =	vlt.s32 v24, v26;
	v25 =	vadd.s32 s28, v20;
	s28 =	simm.s32 $0x2  }
0x16a: {  	s29 =	simm.s32 $0x3;
	v24 =	vsel vm0, v24, v26;
	vm0 =	vlt.s32 v25, v26;
	v39 =	vadd.s32 s28, v20  }
0x16b: {  	p0 =	por $0x0, $0x0;
	v32 =	vadd.s32 s29, v20;
	s28 =	sadd.s32 $0xFFFFFFFF, s26;
	v25 =	vsel vm0, v25, v26;
	vm0 =	vlt.s32 v39, v26  }
0x16c: {  	_ =	sdelay $0x1  }
0x16d: {  	v35 =	vsel vm0, v39, v26;
	vm0 =	vlt.s32 v32, v26  }
0x16e: {  	v30 =	vsel vm0, v32, v26  }
0x16f: {  	v31 =	vld.idx.msk [tilespmem:v24+s23+$0x0], $0xffff  }
0x170: {  	s29 =	simm.s32 $0x4;
	v27 =	vld.idx.msk [tilespmem:v25+s23+$0x0], $0xffff;
	p1 =	sne.s32 s28, $0x1  }
.Ltmp21:
0x171: {  	s21 =	simm.s32 $0x5;
	v33 =	vld.idx.msk [tilespmem:v24+s24+$0x0], $0xffff;
	v29 =	vadd.s32 s29, v20;
	(pc) =	sbr.rel @!p1 .LBB2_27-.Ltmp21, $4  }
0x172: {  	v37 =	vimm.f32 $+Inf;
	v36 =	vadd.s32 s21, v20;
	vm0 =	vlt.s32 v29, v26;
	v28 =	vld.idx.msk [tilespmem:v35+s23+$0x0], $0xffff  }
0x173: {  	s26 =	simm.s32 $0x7;
	v38 =	vimm.f32 $-Inf;
	s21 =	simm.s32 $0x6;
	v24 =	vsel vm0, v29, v26;
	vm0 =	vlt.s32 v36, v26;
	v29 =	vld.idx.msk [tilespmem:v30+s23+$0x0], $0xffff  }
0x174: {  	v34 =	vld.idx.msk [tilespmem:v25+s24+$0x0], $0xffff;
	v32 =	vadd.s32 s26, v20;
	v39 =	vadd.s32 s21, v20;
	v25 =	vsel vm0, v36, v26  }
0x175: {  	s28 =	sadd.s32 $0xFFFFFFFF, s28;
	p0 =	por $0x1, $0x1;
	vm0 =	vlt.s32 v39, v26;
	v36 =	vimm.f32 $-Inf;
	v40 =	vmin.f32 v22, v31;
	v35 =	vld.idx.msk [tilespmem:v35+s24+$0x0], $0xffff  }
.LBB2_28:
0x176: {  	p1 =	sne.s32 s28, $0x1;
	v41 =	vsel vm0, v39, v26;
	vm0 =	vlt.s32 v32, v26;
	s26 =	sadd.s32 $0x4, s26;
	v39 =	vmin.f32 v40, v27;
	v40 =	vld.idx.msk [tilespmem:v30+s24+$0x0], $0xffff  }
0x177: {  	s29 =	sadd.s32 $0xFFFFFFFD, s26;
	v30 =	vsel vm0, v32, v26;
	v32 =	vmin.f32 v39, v28  }
0x178: {  	v39 =	vadd.s32 s29, v20;
	v42 =	vmin.f32 v32, v29  }
0x179: {  	v32 =	vmax.f32 v36, v31;
	v36 =	vmin.f32 v37, v33;
	v33 =	vmax.f32 v38, v33;
	v31 =	vld.idx.msk [tilespmem:v24+s23+$0x0], $0xffff  }
0x17a: {  	v32 =	vmax.f32 v32, v27;
	v36 =	vmin.f32 v36, v34;
	v33 =	vmax.f32 v33, v34;
	v27 =	vld.idx.msk [tilespmem:v25+s23+$0x0], $0xffff  }
.Ltmp22:
0x17b: {  	v32 =	vmax.f32 v32, v28;
	v34 =	vmin.f32 v36, v35;
	v33 =	vmax.f32 v33, v35;
	v28 =	vld.idx.msk [tilespmem:v41+s23+$0x0], $0xffff;
	(pc) =	sbr.rel @p1 .LBB2_28-.Ltmp22, $4  }
0x17c: {  	s29 =	sadd.s32 $0xFFFFFFFE, s26;
	v36 =	vmax.f32 v32, v29;
	v37 =	vmin.f32 v34, v40;
	v38 =	vmax.f32 v33, v40;
	v29 =	vld.idx.msk [tilespmem:v30+s23+$0x0], $0xffff  }
0x17d: {  	vm0 =	vlt.s32 v39, v26;
	v35 =	vadd.s32 s29, v20;
	s29 =	sadd.s32 $0xFFFFFFFF, s26;
	v32 =	vadd.s32 s26, v20;
	v33 =	vld.idx.msk [tilespmem:v24+s24+$0x0], $0xffff  }
0x17e: {  	v24 =	vsel vm0, v39, v26;
	vm0 =	vlt.s32 v35, v26;
	v39 =	vadd.s32 s29, v20;
	v34 =	vld.idx.msk [tilespmem:v25+s24+$0x0], $0xffff  }
0x17f: {  	s28 =	sadd.s32 $0xFFFFFFFF, s28;
	v25 =	vsel vm0, v35, v26;
	vm0 =	vlt.s32 v39, v26;
	v40 =	vmin.f32 v42, v31;
	v35 =	vld.idx.msk [tilespmem:v41+s24+$0x0], $0xffff  }
.LBB2_29:
0x180: {  	_ =	sdelay $0x3  }
0x181: {  	v39 =	vsel vm0, v39, v26;
	v30 =	vld.idx.msk @p0 [tilespmem:v30+s24+$0x0], $0xffff  }
0x182: {  	vm15 =	vlt.s32 v32, v26;
	v57 =	vld.idx.msk [tilespmem:v24+s23+$0x0], $0xffff  }
0x183: {  	v40 =	vmin.f32 @p0 v40, v27;
	v31 =	vmax.f32 @p0 v36, v31;
	v58 =	vld.idx.msk [tilespmem:v25+s23+$0x0], $0xffff;
	v26 =	vsel vm15, v32, v26  }
0x184: {  	v24 =	vld.idx.msk [tilespmem:v24+s24+$0x0], $0xffff;
	v40 =	vmin.f32 @p0 v40, v28;
	v27 =	vmax.f32 @p0 v31, v27;
	v37 =	vmin.f32 @p0 v37, v33  }
0x185: {  	v25 =	vld.idx.msk [tilespmem:v25+s24+$0x0], $0xffff;
	v33 =	vmax.f32 @p0 v38, v33;
	v40 =	vmin.f32 @p0 v40, v29;
	v27 =	vmax.f32 @p0 v27, v28  }
0x186: {  	v31 =	vmin.f32 @p0 v37, v34;
	v33 =	vmax.f32 @p0 v33, v34;
	v61 =	vpsel p0, v40, v22;
	v59 =	vld.idx.msk [tilespmem:v39+s23+$0x0], $0xffff  }
0x187: {  	v27 =	vmax.f32 @p0 v27, v29;
	v31 =	vmin.f32 @p0 v31, v35;
	v33 =	vmax.f32 @p0 v33, v35;
	v62 =	vld.idx.msk [tilespmem:v39+s24+$0x0], $0xffff  }
0x188: {  	v27 =	vpsel p0, v27, v23;
	v28 =	vmin.f32 v61, v57;
	v29 =	vmin.f32 @p0 v31, v30;
	v60 =	vld.idx.msk [tilespmem:v26+s23+$0x0], $0xffff  }
0x189: {  	v30 =	vmax.f32 @p0 v33, v30;
	v27 =	vmax.f32 v27, v57;
	v29 =	vpsel p0, v29, v22;
	v26 =	vld.idx.msk [tilespmem:v26+s24+$0x0], $0xffff  }
.Ltmp23:
0x18a: {  	v28 =	vmin.f32 v28, v58;
	v23 =	vpsel p0, v30, v23;
	v63 =	vmin.f32 v29, v24;
	(pc) =	sbr.rel .LBB2_30-.Ltmp23, $4  }
0x18b: {  	v23 =	vmax.f32 v23, v24;
	v24 =	vmax.f32 v27, v58;
	v27 =	vmin.f32 v63, v25  }
0x18c: {  	v23 =	vmax.f32 v23, v25;
	v22 =	vmin.f32 v28, v59;
	v24 =	vmax.f32 v24, v59  }
0x18d: {  	v25 =	vmin.f32 v27, v62;
	v27 =	vmax.f32 v23, v62;
	v22 =	vmin.f32 v22, v60  }
0x18e: {  	v23 =	vmax.f32 v24, v60;
	v25 =	vmin.f32 v25, v26;
	v24 =	vmax.f32 v27, v26  }
.LBB2_25:
.Ltmp24:
0x18f: {  	(pc) =	sbr.rel .LBB2_29-.Ltmp24, $2  }
0x190: {  	_ =	sdelay $0x2  }
0x191: {  	v36 =	vimm.f32 $-Inf;
	v37 =	vimm.f32 $+Inf;
	v38 =	vimm.f32 $-Inf  }
.LBB2_27:
.Ltmp25:
0x192: {  	(pc) =	sbr.rel .LBB2_29-.Ltmp25, $2  }
0x193: {  	_ =	sdelay $0x2  }
0x194: {  	v36 =	vimm.f32 $-Inf;
	v37 =	vimm.f32 $+Inf;
	v38 =	vimm.f32 $-Inf  }
.LBB2_31:
0x195: {  	p0 =	seq.s32 s3, $0x2  }
.Ltmp26:
0x196: {  	_ = 	snop;
	(pc) =	sbr.rel @p0 .LBB2_43-.Ltmp26, $4  }
.Ltmp27:
0x197: {  	_ = 	snop;
	(pc) =	sbr.rel @!p0 .LBB2_32-.Ltmp27, $4  }
0x198: {  	_ = 	snop  }
0x199: {  	_ = 	snop  }
0x19a: {  	s4 =	simm.s32 $0x2  }
0x19b: {  	_ = 	snop  }
.LBB2_42:
0x19c: {  	s4 =	sadd.s32 $0x1, s4  }
0x19d: {  	p0 =	sne.s32 s4, s3  }
.Ltmp28:
0x19e: {  	_ = 	snop;
	(pc) =	sbr.rel @!p0 .LBB2_43-.Ltmp28, $1  }
0x19f: {  	_ =	sdelay $0x3  }
.LBB2_32:
0x1a0: {  	s25 =	sshll.u32 s4, $0xD  }
0x1a1: {  	s26 =	sadd.s32 s31, s25  }
0x1a2: {  	s25 =	sshrl.u32 s26, $0x3  }
0x1a3: {  	s28 =	sadd.s32 s0, s25;
	s25 =	simm.s32 $0x0  }
0x1a4: {  	[tilespmem:s15], [sflag:$0x5] =	stream.linear.gather [hbm4b:s28+s25], $0x2000, $0x38;
	[tilespmem:$0xE900] =	vst v63  }
0x1a5: {  	_ =	swait.ge [sflag:s12], $0x2000  }
0x1a6: {  	[sflag:s12] =	ssyncset.done $0x0  }
0x1a7: {  	[sflag:s12] =	ssyncadd.s32 $0xFFFFE000  }
0x1a8: {  	[tilespmem:s17], [sflag:$0x1] =	stream.indirect.gather [hbm4b:s1+s16], $0x1, s15, s16, $0xb8;
	[tilespmem:$0xE900] =	vst v63  }
0x1a9: {  	_ = 	snop  }
0x1aa: {  	[tilespmem:s18], [sflag:$0x2] =	stream.indirect.gather [hbm4b:s2+s16], $0x1, s15, s16, $0xb8;
	[tilespmem:$0xE900] =	vst v63  }
0x1ab: {  	_ =	swait.ge [sflag:s14], $0x2000  }
.Ltmp29:
0x1ac: {  	[sflag:s14] =	ssyncset.done $0x0;
	(pc) =	sbr.rel .LBB2_33-.Ltmp29, $4  }
0x1ad: {  	[sflag:s14] =	ssyncadd.s32 $0xFFFFE000  }
0x1ae: {  	_ =	swait.ge [sflag:s19], $0x2000  }
0x1af: {  	[sflag:s19] =	ssyncset.done $0x0  }
0x1b0: {  	v19 =	vmov s26;
	[sflag:s19] =	ssyncadd.s32 $0xFFFFE000  }
.LBB2_34:
0x1b1: {  	v25 =	vimm.f32 $+Inf;
	v24 =	vimm.f32 $-Inf  }
.LBB2_41:
0x1b2: {  	v26 =	vld [tilespmem:s26+$0xCF00]  }
0x1b3: {  	v27 =	vld [tilespmem:s26+$0xD580]  }
0x1b4: {  	v28 =	vld [tilespmem:s26+$0xDC00]  }
0x1b5: {  	v29 =	vld [tilespmem:s26+$0xE280]  }
0x1b6: {  	s25 =	sadd.s32 $0x1, s25  }
0x1b7: {  	vm0 =	vgt.s32 v21, v20;
	p0 =	sne.s32 s25, $0x62;
	v20 =	vmin.f32 v26, v22  }
.Ltmp30:
0x1b8: {  	v61 =	vmax.f32 v27, v23;
	v20 =	vsel vm0, v20, v26;
	(pc) =	sbr.rel @!p0 .LBB2_42-.Ltmp30, $4  }
0x1b9: {  	v62 =	vmin.f32 v28, v25;
	[tilespmem:s26+$0xCF00] =	vst v20;
	v20 =	vsel vm0, v61, v27  }
0x1ba: {  	v63 =	vmax.f32 v29, v24;
	[tilespmem:s26+$0xD580] =	vst v20;
	v20 =	vsel vm0, v62, v28  }
0x1bb: {  	[tilespmem:s26+$0xDC00] =	vst v20;
	v20 =	vsel vm0, v63, v29  }
0x1bc: {  	[tilespmem:s26+$0xE280] =	vst v20  }
.LBB2_33:
0x1bd: {  	v20 =	vmov s25;
	_ =	sdelay $0x4  }
0x1be: {  	v20 =	vld.idx.msk [tilespmem:v20+s20+$0x0], $0xffff;
	_ =	sdelay $0x4  }
0x1bf: {  	(v2sf) =	vpush v20, $0x0;
	_ =	sdelay $0xd  }
0x1c0: {  	s26 =	sshll.u32 s25, $0x4  }
0x1c1: {  	v21 =	vadd.s32 s26, v2;
	s28 =	spop (v2sf)  }
0x1c2: {  	v20 =	vor.u32 s26, v0;
	s28 =	sadd.s32 $0x3, s28  }
0x1c3: {  	s29 =	sand.u32 $0x3, s28  }
0x1c4: {  	s21 =	sshra.s32 s28, $0x1F;
	p1 =	slt.s32 s28, $0x1;
	p0 =	sne.s32 s29, $0x0  }
0x1c5: {  	s29 =	sshrl.u32 s21, $0x1E;
	p0 =	por !p1, !p0  }
0x1c6: {  	v21 =	vld.idx.msk [tilespmem:v21+s5+$0x0], $0xffff;
	s28 =	sadd.s32 s29, s28;
	s29 =	simm.s32 $0x1;
	p0 =	por !p0, !p0  }
0x1c7: {  	v20 =	vld.idx.msk [tilespmem:v20+s5+$0x0], $0xffff;
	s28 =	sshra.s32 s28, $0x2;
	s29 =	simm.s32 @!p0 $0x0  }
0x1c8: {  	s28 =	ssub.s32 s28, s29  }
0x1c9: {  	p0 =	slt.s32 s28, $0x1  }
.Ltmp31:
0x1ca: {  	_ = 	snop;
	(pc) =	sbr.rel @p0 .LBB2_34-.Ltmp31, $4  }
0x1cb: {  	_ = 	snop  }
0x1cc: {  	v21 =	vsub.s32 v21, v19;
	v20 =	vsub.s32 v20, v19  }
0x1cd: {  	v22 =	vimm.f32 $+Inf;
	vm15 =	vlt.s32 v21, $0x2000;
	vm0 =	vgt.s32 v20, $0x0  }
0x1ce: {  	v23 =	vimm.f32 $-Inf;
	v21 =	vnsel vm15, $0x2000, v21;
	v20 =	vnsel vm0, $0x0, v20  }
0x1cf: {  	v24 =	vadd.s32 $0xFFFFFFFF, v21;
	p1 =	sne.s32 s28, $0x1  }
.Ltmp32:
0x1d0: {  	s29 =	simm.s32 $0x0;
	vm0 =	vgt.s32 v24, $0x0;
	(pc) =	sbr.rel @!p1 .LBB2_36-.Ltmp32, $4  }
0x1d1: {  	v26 =	vnsel vm0, $0x0, v24;
	v24 =	vadd.s32 s29, v20;
	s29 =	simm.s32 $0x1  }
0x1d2: {  	vm0 =	vlt.s32 v24, v26;
	v25 =	vadd.s32 s29, v20;
	s29 =	simm.s32 $0x2  }
0x1d3: {  	s21 =	simm.s32 $0x3;
	v24 =	vsel vm0, v24, v26;
	vm0 =	vlt.s32 v25, v26;
	v39 =	vadd.s32 s29, v20  }
0x1d4: {  	p0 =	por $0x0, $0x0;
	v32 =	vadd.s32 s21, v20;
	s29 =	sadd.s32 $0xFFFFFFFF, s28;
	v25 =	vsel vm0, v25, v26;
	vm0 =	vlt.s32 v39, v26  }
0x1d5: {  	_ =	sdelay $0x1  }
0x1d6: {  	v35 =	vsel vm0, v39, v26;
	vm0 =	vlt.s32 v32, v26  }
0x1d7: {  	v30 =	vsel vm0, v32, v26  }
0x1d8: {  	v31 =	vld.idx.msk [tilespmem:v24+s17+$0x0], $0xffff  }
0x1d9: {  	s21 =	simm.s32 $0x4;
	v27 =	vld.idx.msk [tilespmem:v25+s17+$0x0], $0xffff;
	p1 =	sne.s32 s29, $0x1  }
.Ltmp33:
0x1da: {  	v33 =	vld.idx.msk [tilespmem:v24+s18+$0x0], $0xffff;
	v29 =	vadd.s32 s21, v20;
	s21 =	simm.s32 $0x5;
	(pc) =	sbr.rel @!p1 .LBB2_38-.Ltmp33, $4  }
0x1db: {  	v37 =	vimm.f32 $+Inf;
	vm0 =	vlt.s32 v29, v26;
	v36 =	vadd.s32 s21, v20;
	v28 =	vld.idx.msk [tilespmem:v35+s17+$0x0], $0xffff  }
0x1dc: {  	s28 =	simm.s32 $0x7;
	v38 =	vimm.f32 $-Inf;
	s21 =	simm.s32 $0x6;
	v24 =	vsel vm0, v29, v26;
	vm0 =	vlt.s32 v36, v26;
	v29 =	vld.idx.msk [tilespmem:v30+s17+$0x0], $0xffff  }
0x1dd: {  	v34 =	vld.idx.msk [tilespmem:v25+s18+$0x0], $0xffff;
	v32 =	vadd.s32 s28, v20;
	v39 =	vadd.s32 s21, v20;
	v25 =	vsel vm0, v36, v26  }
0x1de: {  	s29 =	sadd.s32 $0xFFFFFFFF, s29;
	p0 =	por $0x1, $0x1;
	vm0 =	vlt.s32 v39, v26;
	v36 =	vimm.f32 $-Inf;
	v40 =	vmin.f32 v22, v31;
	v35 =	vld.idx.msk [tilespmem:v35+s18+$0x0], $0xffff  }
.LBB2_39:
0x1df: {  	p1 =	sne.s32 s29, $0x1;
	v41 =	vsel vm0, v39, v26;
	vm0 =	vlt.s32 v32, v26;
	s28 =	sadd.s32 $0x4, s28;
	v39 =	vmin.f32 v40, v27;
	v40 =	vld.idx.msk [tilespmem:v30+s18+$0x0], $0xffff  }
0x1e0: {  	s21 =	sadd.s32 $0xFFFFFFFD, s28;
	v30 =	vsel vm0, v32, v26;
	v32 =	vmin.f32 v39, v28  }
0x1e1: {  	v39 =	vadd.s32 s21, v20;
	v42 =	vmin.f32 v32, v29  }
0x1e2: {  	v32 =	vmax.f32 v36, v31;
	v36 =	vmin.f32 v37, v33;
	v33 =	vmax.f32 v38, v33;
	v31 =	vld.idx.msk [tilespmem:v24+s17+$0x0], $0xffff  }
0x1e3: {  	v32 =	vmax.f32 v32, v27;
	v36 =	vmin.f32 v36, v34;
	v33 =	vmax.f32 v33, v34;
	v27 =	vld.idx.msk [tilespmem:v25+s17+$0x0], $0xffff  }
.Ltmp34:
0x1e4: {  	v32 =	vmax.f32 v32, v28;
	v34 =	vmin.f32 v36, v35;
	v33 =	vmax.f32 v33, v35;
	v28 =	vld.idx.msk [tilespmem:v41+s17+$0x0], $0xffff;
	(pc) =	sbr.rel @p1 .LBB2_39-.Ltmp34, $4  }
0x1e5: {  	s21 =	sadd.s32 $0xFFFFFFFE, s28;
	v36 =	vmax.f32 v32, v29;
	v37 =	vmin.f32 v34, v40;
	v38 =	vmax.f32 v33, v40;
	v29 =	vld.idx.msk [tilespmem:v30+s17+$0x0], $0xffff  }
0x1e6: {  	vm0 =	vlt.s32 v39, v26;
	v35 =	vadd.s32 s21, v20;
	s21 =	sadd.s32 $0xFFFFFFFF, s28;
	v32 =	vadd.s32 s28, v20;
	v33 =	vld.idx.msk [tilespmem:v24+s18+$0x0], $0xffff  }
0x1e7: {  	v24 =	vsel vm0, v39, v26;
	vm0 =	vlt.s32 v35, v26;
	v39 =	vadd.s32 s21, v20;
	v34 =	vld.idx.msk [tilespmem:v25+s18+$0x0], $0xffff  }
0x1e8: {  	s29 =	sadd.s32 $0xFFFFFFFF, s29;
	v25 =	vsel vm0, v35, v26;
	vm0 =	vlt.s32 v39, v26;
	v40 =	vmin.f32 v42, v31;
	v35 =	vld.idx.msk [tilespmem:v41+s18+$0x0], $0xffff  }
.LBB2_40:
0x1e9: {  	_ =	sdelay $0x3  }
0x1ea: {  	v39 =	vsel vm0, v39, v26;
	v30 =	vld.idx.msk @p0 [tilespmem:v30+s18+$0x0], $0xffff  }
0x1eb: {  	vm15 =	vlt.s32 v32, v26;
	v57 =	vld.idx.msk [tilespmem:v24+s17+$0x0], $0xffff  }
0x1ec: {  	v40 =	vmin.f32 @p0 v40, v27;
	v31 =	vmax.f32 @p0 v36, v31;
	v58 =	vld.idx.msk [tilespmem:v25+s17+$0x0], $0xffff;
	v26 =	vsel vm15, v32, v26  }
0x1ed: {  	v24 =	vld.idx.msk [tilespmem:v24+s18+$0x0], $0xffff;
	v40 =	vmin.f32 @p0 v40, v28;
	v27 =	vmax.f32 @p0 v31, v27;
	v37 =	vmin.f32 @p0 v37, v33  }
0x1ee: {  	v25 =	vld.idx.msk [tilespmem:v25+s18+$0x0], $0xffff;
	v33 =	vmax.f32 @p0 v38, v33;
	v40 =	vmin.f32 @p0 v40, v29;
	v27 =	vmax.f32 @p0 v27, v28  }
0x1ef: {  	v31 =	vmin.f32 @p0 v37, v34;
	v33 =	vmax.f32 @p0 v33, v34;
	v61 =	vpsel p0, v40, v22;
	v59 =	vld.idx.msk [tilespmem:v39+s17+$0x0], $0xffff  }
0x1f0: {  	v27 =	vmax.f32 @p0 v27, v29;
	v31 =	vmin.f32 @p0 v31, v35;
	v33 =	vmax.f32 @p0 v33, v35;
	v62 =	vld.idx.msk [tilespmem:v39+s18+$0x0], $0xffff  }
0x1f1: {  	v27 =	vpsel p0, v27, v23;
	v28 =	vmin.f32 v61, v57;
	v29 =	vmin.f32 @p0 v31, v30;
	v60 =	vld.idx.msk [tilespmem:v26+s17+$0x0], $0xffff  }
0x1f2: {  	v30 =	vmax.f32 @p0 v33, v30;
	v27 =	vmax.f32 v27, v57;
	v29 =	vpsel p0, v29, v22;
	v26 =	vld.idx.msk [tilespmem:v26+s18+$0x0], $0xffff  }
.Ltmp35:
0x1f3: {  	v28 =	vmin.f32 v28, v58;
	v23 =	vpsel p0, v30, v23;
	v63 =	vmin.f32 v29, v24;
	(pc) =	sbr.rel .LBB2_41-.Ltmp35, $4  }
0x1f4: {  	v23 =	vmax.f32 v23, v24;
	v24 =	vmax.f32 v27, v58;
	v27 =	vmin.f32 v63, v25  }
0x1f5: {  	v23 =	vmax.f32 v23, v25;
	v22 =	vmin.f32 v28, v59;
	v24 =	vmax.f32 v24, v59  }
0x1f6: {  	v25 =	vmin.f32 v27, v62;
	v27 =	vmax.f32 v23, v62;
	v22 =	vmin.f32 v22, v60  }
0x1f7: {  	v23 =	vmax.f32 v24, v60;
	v25 =	vmin.f32 v25, v26;
	v24 =	vmax.f32 v27, v26  }
.LBB2_36:
.Ltmp36:
0x1f8: {  	(pc) =	sbr.rel .LBB2_40-.Ltmp36, $2  }
0x1f9: {  	_ =	sdelay $0x2  }
0x1fa: {  	v36 =	vimm.f32 $-Inf;
	v37 =	vimm.f32 $+Inf;
	v38 =	vimm.f32 $-Inf  }
.LBB2_38:
.Ltmp37:
0x1fb: {  	(pc) =	sbr.rel .LBB2_40-.Ltmp37, $2  }
0x1fc: {  	_ =	sdelay $0x2  }
0x1fd: {  	v36 =	vimm.f32 $-Inf;
	v37 =	vimm.f32 $+Inf;
	v38 =	vimm.f32 $-Inf  }
.LBB2_4:
.Ltmp38:
0x1fe: {  	(pc) =	sbr.rel .LBB2_10-.Ltmp38, $2  }
0x1ff: {  	_ =	sdelay $0x2  }
0x200: {  	s4 =	simm.s32 $0xE80  }
.LBB2_6:
.Ltmp39:
0x201: {  	(pc) =	sbr.rel .LBB2_10-.Ltmp39, $2  }
0x202: {  	_ =	sdelay $0x2  }
0x203: {  	s31 =	simm.s32 $0x100;
	s4 =	simm.s32 $0xE80  }
.LBB2_8:
.Ltmp40:
0x204: {  	(pc) =	sbr.rel .LBB2_10-.Ltmp40, $2  }
0x205: {  	_ =	sdelay $0x2  }
0x206: {  	s4 =	simm.s32 $0xE80  }
.LBB2_44:
0x207: {  	_ =	sfence.sel $0x180000  }
0x208: {  	[bflag:$0x0] =	sbarrier.arrive $0xFFFF  }
0x209: {  	_ =	strace $0x90000047  }
0x20a: {  	s0 =	stileid.u32;
	[bflag:$0x2] =	sbarrier.arrive $0xFFFF  }
0x20b: {  	p0 =	sne.s32 s0, $0x0;
	s0 =	rddreg [dreg:$0x8]  }
0x20c: {  	s0 =	sadd.s32 @!p0 $0x100000, s0  }
0x20d: {  	[sflag:s0] =	ssyncadd.tile.s32 @!p0 $0x1;
	_ =	shalt  }
.Lfunc_end2:
_tile_overlayer_lowered:
.L_overlay_start_2:
0x20e: {  	(tag) =	ssettag $0x2  }
0x20f: {  	s0 =	rddreg [dreg:$0x0];
	s2 =	stileid.u32  }
0x210: {  	s1 =	rddreg [dreg:$0x1];
	p0 =	sne.s32 s2, $0x0  }
0x211: {  	s3 =	rddreg [dreg:$0x2];
	[bflag:$0x3] =	sbarrier.arrive $0xFFFF;
	s2 =	simm.s32 @!p0 $0x1C05  }
0x212: {  	[timem:s3], [sflag:s2] =	dma.local @!p0 [hbm:s0], s1  }
0x213: {  	s0 =	simm.s32 @!p0 $0x5  }
0x214: {  	_ =	swait.ge @!p0 [sflag:s0], s1  }
0x215: {  	s1 =	ssub.s32 @!p0 $0x0, s1;
	[sflag:s0] =	ssyncset.done @!p0 $0x0  }
0x216: {  	[sflag:s0] =	ssyncadd.s32 @!p0 s1  }
0x217: {  	[bflag:$0x3] =	sbarrier.arrive $0xFFFF  }
0x218: {  	_ =	shalt  }

</sc_bundles>
